<compile_context>
chip_gen: v7x
topology: tpu7x:2x2x1
jax: 0.10.2.dev20260603
libtpu: 0.0.44.dev20260713+nightly
codegen_flags: <defaults>
</compile_context>

<pallas_src>
import functools

import jax
import jax.numpy as jnp
from jax import lax
from jax.experimental import pallas as pl
from jax.experimental.pallas import tpu as pltpu
from jax.experimental.pallas import tpu_sc as plsc

N = 10000
D = 128
E = 320000
EPS = 1e-05

NC = 2
NS = 16
NW = NC * NS
CHUNK = 128
CPW = 88
E_PAD = NW * CPW * CHUNK
E_TOT = E + N
CPC = NW * CPW // NS
RNG = 2560
NRG = 4
RPT = RNG // NS
ACC_R = RNG + 8

_mesh = plsc.VectorSubcoreMesh(core_axis_name="c", subcore_axis_name="s")




@functools.partial(
    pl.kernel,
    out_type=jax.ShapeDtypeStruct((NRG, RNG, D), jnp.float32),
    mesh=_mesh,
    scratch_types=[
        pltpu.VMEM((CPC, CHUNK), jnp.int32),
        pltpu.VMEM((CPC, CHUNK), jnp.int32),
        pltpu.VMEM((CPC, CHUNK), jnp.int32),
        pltpu.VMEM((CHUNK, D), jnp.float32),
        pltpu.VMEM((RPT, D), jnp.float32),
        pltpu.VMEM_SHARED((ACC_R, D), jnp.float32),
        pltpu.SemaphoreType.DMA,
    ],
)
def _scatter(g_hbm, pk_hbm, out_hbm, pk_v, src_v, dst_v, rows_v, zbuf, acc, sem):
    c = lax.axis_index("c")
    s = lax.axis_index("s")

    def fill_zero(i, _):
        zbuf[i // 8, pl.ds((i % 8) * 16, 16)] = jnp.zeros((16,), jnp.float32)
        return 0
    lax.fori_loop(0, RPT * 8, fill_zero, 0)

    pltpu.sync_copy(pk_hbm.at[pl.ds(s * CPC, CPC)], pk_v)

    def unpack_src(i, _):
        v = pk_v[i // 8, pl.ds((i % 8) * 16, 16)]
        src_v[i // 8, pl.ds((i % 8) * 16, 16)] = lax.shift_right_logical(v, 14)
        return 0
    lax.fori_loop(0, CPC * 8, unpack_src, 0)

    for p in range(NRG // 2):
        r = c * (NRG // 2) + p
        base = r * RNG

        def unpack_dst(i, _):
            v = pk_v[i // 8, pl.ds((i % 8) * 16, 16)]
            d = (v & 16383) - base
            ok = (d >= 0) & (d < RNG)
            dst_v[i // 8, pl.ds((i % 8) * 16, 16)] = jnp.where(ok, d, RNG)
            return 0
        lax.fori_loop(0, CPC * 8, unpack_dst, 0)

        pltpu.sync_copy(zbuf, acc.at[pl.ds(s * RPT, RPT)])
        plsc.subcore_barrier()

        def body(j, _):
            pltpu.async_copy(g_hbm.at[src_v.at[j]], rows_v, sem).wait()
            pltpu.sync_copy(rows_v, acc.at[dst_v.at[j]], add=True)
            return 0
        lax.fori_loop(0, CPC, body, 0)

        plsc.subcore_barrier()
        pltpu.sync_copy(
            acc.at[pl.ds(s * RPT, RPT)],
            out_hbm.at[r, pl.ds(s * RPT, RPT)],
        )
        plsc.subcore_barrier()



def _dinv_of(degc):
    return jnp.where(degc > 0.0, lax.rsqrt(degc), 0.0)


def _assemble(sp):
    return sp.reshape(NRG * RNG, D)[:N]


def _pack_body(e0_ref, e1_ref, o_ref):
    head = (e0_ref[...] << 14) | e1_ref[...]
    rows = NW * CPW - E // CHUNK
    n = (lax.broadcasted_iota(jnp.int32, (rows, CHUNK), 0) * CHUNK
         + lax.broadcasted_iota(jnp.int32, (rows, CHUNK), 1))
    tail = jnp.where(n < N, n * ((1 << 14) + 1), N)
    o_ref[...] = jnp.concatenate([head, tail], axis=0)


def _degcol_body(dsp_ref, o_ref):
    o_ref[...] = _assemble(dsp_ref[...])[:, 0:1]


def _first_body(x_ref, w_ref, o_ref):
    h = jnp.clip(x_ref[...], -10.0, 10.0)
    o_ref[...] = jnp.dot(h, w_ref[...], preferred_element_type=jnp.float32)


def _scale_body(m_ref, degc_ref, o_ref):
    o_ref[...] = m_ref[...] * _dinv_of(degc_ref[...])


def _mid_body(sp_ref, degc_ref, b_ref, g_ref, bt_ref, w_ref, og_ref, oh_ref):
    dinv = _dinv_of(degc_ref[...])
    t = _assemble(sp_ref[...]) * dinv + b_ref[...]
    mu = jnp.mean(t, axis=0, keepdims=True)
    cen = t - mu
    var = jnp.mean(cen * cen, axis=0, keepdims=True)
    hbn = cen * (g_ref[...] * lax.rsqrt(var + EPS)) + bt_ref[...]
    oh_ref[...] = hbn
    h = jnp.maximum(hbn, 0.0)
    og_ref[...] = jnp.dot(h, w_ref[...], preferred_element_type=jnp.float32) * dinv


_nd = jax.ShapeDtypeStruct((N, D), jnp.float32)
_pack = pl.pallas_call(
    _pack_body, out_shape=jax.ShapeDtypeStruct((NW * CPW, CHUNK), jnp.int32))
_degcol = pl.pallas_call(
    _degcol_body, out_shape=jax.ShapeDtypeStruct((N, 1), jnp.float32))
_first = pl.pallas_call(_first_body, out_shape=_nd)
_scale = pl.pallas_call(_scale_body, out_shape=_nd)
_mid = pl.pallas_call(_mid_body, out_shape=(_nd, _nd))



def kernel(x, edge_index, W1, b1, g1, bt1, W2, b2, g2, bt2, W3, b3, g3, bt3):
    pk2d = _pack(edge_index[0].reshape(E // CHUNK, CHUNK),
                 edge_index[1].reshape(E // CHUNK, CHUNK))

    bs = jnp.stack([b1, b2, b3])[:, None, :]
    gs = jnp.stack([g1, g2, g3])[:, None, :]
    bts = jnp.stack([bt1, bt2, bt3])[:, None, :]
    ws = jnp.stack([W2, W3, jnp.eye(D, dtype=jnp.float32)])

    degc = _degcol(_scatter(jnp.ones((N, D), jnp.float32), pk2d))
    m1 = _first(x, W1)
    g0 = _scale(m1, degc)

    def step(g, params):
        b, gam, bt, w = params
        sp = _scatter(g, pk2d)
        g_next, hbn = _mid(sp, degc, b, gam, bt, w)
        return g_next, hbn

    _, hbns = lax.scan(step, g0, (bs, gs, bts, ws))
    return hbns[-1]

# --- scband reference (transcript-rebuilt; emitter-appended) ---
"""Pipeline reference for scband-stable-gnn-45904610460214 (READ-ONLY COPY).

The authoritative reference and input builder live on the scoring server;
editing this copy changes nothing except your own understanding.
"""

import jax, jax.numpy as jnp
import numpy as np

N = 10000
E = 320000
D = 128
EPS = 1e-05


def _xavier(key, fan_in, fan_out):
    lim = float(np.sqrt(6.0 / (fan_in + fan_out)))
    return jax.random.uniform(key, (fan_in, fan_out), dtype=jnp.float32, minval=-lim, maxval=lim)


def setup_inputs(seed: int = 0) -> dict:
    key = jax.random.key(seed)
    ks = jax.random.split(key, 8)
    x = jax.random.normal(ks[0], (N, D), dtype=jnp.float32)
    edge_index = jax.random.randint(ks[1], (2, E), 0, N, dtype=jnp.int32)
    inp = {"x": x, "edge_index": edge_index}
    for i, kw in zip((1, 2, 3), (ks[2], ks[3], ks[4])):
        inp[f"W{i}"] = _xavier(kw, D, D)
        inp[f"b{i}"] = jnp.zeros((D,), dtype=jnp.float32)
        inp[f"g{i}"] = jnp.ones((D,), dtype=jnp.float32)
        inp[f"bt{i}"] = jnp.zeros((D,), dtype=jnp.float32)
    return inp


def reference(x, edge_index, W1, b1, g1, bt1, W2, b2, g2, bt2, W3, b3, g3, bt3):
    # GCNConv with added self-loops and symmetric normalization (PyG semantics)
    src = edge_index[0]
    dst = edge_index[1]
    loops = jnp.arange(N, dtype=src.dtype)
    src = jnp.concatenate([src, loops])
    dst = jnp.concatenate([dst, loops])
    deg = jax.ops.segment_sum(jnp.ones(src.shape[0], dtype=jnp.float32), dst, num_segments=N)
    dinv = jnp.where(deg > 0, 1.0 / jnp.sqrt(deg), 0.0)
    norm = dinv[src] * dinv[dst]

    def gcn(h, W, b):
        h = h @ W
        msg = h[src] * norm[:, None]
        return jax.ops.segment_sum(msg, dst, num_segments=N) + b

    def bn(h, g, bt):
        mu = jnp.mean(h, axis=0)
        var = jnp.var(h, axis=0)
        return (h - mu) / jnp.sqrt(var + EPS) * g + bt

    h = jnp.clip(x, -10.0, 10.0)
    h = jax.nn.relu(bn(gcn(h, W1, b1), g1, bt1))  # dropout p=0.0 -> identity
    h = jax.nn.relu(bn(gcn(h, W2, b2), g2, bt2))
    h = bn(gcn(h, W3, b3), g3, bt3)
    return h

if __name__ == "__main__":
    import jax
    _d = setup_inputs()
    print(jax.jit(kernel)(*tuple(_d.values())))

</pallas_src>

<mosaic_0001>
#map = affine_map<(d0, d1) -> (0, 0)>
#map1 = affine_map<(d0, d1) -> (0, 0, 0)>
module attributes {stable_mosaic.version = 14 : i64} {
  func.func @_scatter(%arg0: i32, %arg1: i32, %arg2: memref<10000x128xf32, #tpu.memory_space<hbm>>, %arg3: memref<2816x128xi32, #tpu.memory_space<hbm>>, %arg4: memref<4x2560x128xf32, #tpu.memory_space<hbm>>, %arg5: memref<176x128xi32, #tpu.memory_space<vmem>>, %arg6: memref<176x128xi32, #tpu.memory_space<vmem>>, %arg7: memref<176x128xi32, #tpu.memory_space<vmem>>, %arg8: memref<128x128xf32, #tpu.memory_space<vmem>>, %arg9: memref<160x128xf32, #tpu.memory_space<vmem>>, %arg10: memref<2568x128xf32, #tpu.memory_space<vmem_shared>>, %arg11: memref<!tpu.dma_semaphore, #tpu.memory_space<semaphore_mem>>) attributes {dimension_semantics = [#tpu.dimension_semantics<core_parallel>, #tpu.dimension_semantics<subcore_parallel>], iteration_bounds = array<i64: 2, 16>, scalar_prefetch = 0 : i64, scratch_operands = 7 : i64, tpu.core_type = #tpu.core_type<sc_vector_subcore>, window_params = [{transform_indices = #map}, {transform_indices = #map}, {transform_indices = #map1}]} {
    %scan3A = arith.constant 0 : i32
    %scan3A_0 = arith.constant 0 : i32
    %scan3A_1 = arith.constant 1280 : i32
    %scan3A_2 = arith.addi %scan3A_0, %scan3A_1 : i32
    %scan3A_3 = arith.constant 1 : i32
    %scan3A_4 = scf.for %scan3A_70 = %scan3A_0 to %scan3A_2 step %scan3A_3 iter_args(%scan3A_71 = %scan3A) -> (i32)  : i32 {
      %broadcast_in_dim3A = arith.constant 0.000000e+00 : f32
      %broadcast_in_dim3A_72 = vector.broadcast %broadcast_in_dim3A : f32 to vector<16xf32>
      %jit3A = arith.constant 8 : i32
      %div3A = arith.divsi %scan3A_70, %jit3A : i32
      %sign3A = arith.constant 0 : i32
      %sign3A_73 = arith.cmpi sgt, %scan3A_70, %sign3A : i32
      %sign3A_74 = arith.extui %sign3A_73 : i1 to i32
      %sign3A_75 = arith.constant 0 : i32
      %sign3A_76 = arith.cmpi slt, %scan3A_70, %sign3A_75 : i32
      %sign3A_77 = arith.extui %sign3A_76 : i1 to i32
      %sign3A_78 = arith.subi %sign3A_74, %sign3A_77 : i32
      %sign3A_79 = arith.constant 0 : i32
      %sign3A_80 = arith.cmpi sgt, %jit3A, %sign3A_79 : i32
      %sign3A_81 = arith.extui %sign3A_80 : i1 to i32
      %sign3A_82 = arith.constant 0 : i32
      %sign3A_83 = arith.cmpi slt, %jit3A, %sign3A_82 : i32
      %sign3A_84 = arith.extui %sign3A_83 : i1 to i32
      %sign3A_85 = arith.subi %sign3A_81, %sign3A_84 : i32
      %ne3A = arith.cmpi ne, %sign3A_78, %sign3A_85 : i32
      %rem3A = arith.remsi %scan3A_70, %jit3A : i32
      %ne3A_86 = arith.constant 0 : i32
      %ne3A_87 = arith.cmpi ne, %rem3A, %ne3A_86 : i32
      %and3A = arith.andi %ne3A, %ne3A_87 : i1
      %sub3A = arith.constant 1 : i32
      %sub3A_88 = arith.subi %div3A, %sub3A : i32
      %select_n3A = arith.select %and3A, %sub3A_88, %div3A : i32
      %jit3A_89 = arith.constant 8 : i32
      %eq3A = arith.constant 0 : i32
      %eq3A_90 = arith.cmpi eq, %jit3A_89, %eq3A : i32
      %jit3A_91 = arith.constant 1 : i32
      %select_n3A_92 = arith.select %eq3A_90, %jit3A_91, %jit3A_89 : i32
      %rem3A_93 = arith.remsi %scan3A_70, %select_n3A_92 : i32
      %ne3A_94 = arith.constant 0 : i32
      %ne3A_95 = arith.cmpi ne, %rem3A_93, %ne3A_94 : i32
      %lt3A = arith.constant 0 : i32
      %lt3A_96 = arith.cmpi slt, %rem3A_93, %lt3A : i32
      %lt3A_97 = arith.constant 0 : i32
      %lt3A_98 = arith.cmpi slt, %select_n3A_92, %lt3A_97 : i32
      %ne3A_99 = arith.xori %lt3A_96, %lt3A_98 : i1
      %and3A_100 = arith.andi %ne3A_99, %ne3A_95 : i1
      %add3A_101 = arith.addi %rem3A_93, %select_n3A_92 : i32
      %select_n3A_102 = arith.select %and3A_100, %add3A_101, %rem3A_93 : i32
      %mul3A_103 = arith.constant 16 : i32
      %mul3A_104 = arith.muli %select_n3A_102, %mul3A_103 : i32
      %swap3A = arith.index_cast %select_n3A : i32 to index
      %swap3A_105 = arith.index_cast %mul3A_104 : i32 to index
      %swap3A_106 = tpu.vector_load %arg9[%swap3A, %swap3A_105] {strides = array<i32>} : memref<160x128xf32, #tpu.memory_space<vmem>>, vector<1x16xf32>,
      %swap3A_107 = vector.shape_cast %swap3A_106 : vector<1x16xf32> to vector<16xf32>
      %swap3A_108 = vector.shape_cast %broadcast_in_dim3A_72 : vector<16xf32> to vector<1x16xf32>
      tpu.vector_store %arg9[%swap3A, %swap3A_105], %swap3A_108 {strides = array<i32>} : memref<160x128xf32, #tpu.memory_space<vmem>>, vector<1x16xf32>,
      %scan3A_109 = arith.constant 0 : i32
      scf.yield %scan3A_109 : i32
    }
    %scan3A_5 = arith.constant 1280 : i32
    %mul3A = arith.constant 176 : i32
    %mul3A_6 = arith.muli %arg1, %mul3A : i32
    "tpu.region"() ({
      %run_scoped3A = tpu.sem_alloc : memref<!tpu.dma_semaphore, #tpu.memory_space<semaphore_mem>>
      %dma_start3A = arith.constant 0 : i32
      %dma_start3A_70 = tpu.memref_slice %arg3[%mul3A_6, %dma_start3A] : memref<2816x128xi32, #tpu.memory_space<hbm>> -> memref<176x128xi32, #tpu.memory_space<hbm>>
      %dma_start3A_71 = arith.constant 0 : i32
      %dma_start3A_72 = tpu.memref_slice %arg3[%mul3A_6, %dma_start3A_71] : memref<2816x128xi32, #tpu.memory_space<hbm>> -> memref<176x128xi32, #tpu.memory_space<hbm>>
      tpu.enqueue_dma source(%dma_start3A_72 : memref<176x128xi32, #tpu.memory_space<hbm>>) target(%arg5 : memref<176x128xi32, #tpu.memory_space<vmem>>) target_semaphore(%run_scoped3A : memref<!tpu.dma_semaphore, #tpu.memory_space<semaphore_mem>>)
      %dma_wait3A = arith.constant 0 : i32
      %dma_wait3A_73 = tpu.memref_slice %arg3[%mul3A_6, %dma_wait3A] : memref<2816x128xi32, #tpu.memory_space<hbm>> -> memref<176x128xi32, #tpu.memory_space<hbm>>
      %dma_wait3A_74 = arith.constant 0 : i32
      %dma_wait3A_75 = tpu.memref_slice %arg3[%mul3A_6, %dma_wait3A_74] : memref<2816x128xi32, #tpu.memory_space<hbm>> -> memref<176x128xi32, #tpu.memory_space<hbm>>
      tpu.wait_dma2 semaphore(%run_scoped3A : memref<!tpu.dma_semaphore, #tpu.memory_space<semaphore_mem>>) src(%dma_wait3A_75 : memref<176x128xi32, #tpu.memory_space<hbm>>) dst(%arg5 : memref<176x128xi32, #tpu.memory_space<vmem>>)
      tpu.yield
    }) : () -> ()
    %scan3A_7 = arith.constant 0 : i32
    %scan3A_8 = arith.constant 0 : i32
    %scan3A_9 = arith.constant 1408 : i32
    %scan3A_10 = arith.addi %scan3A_8, %scan3A_9 : i32
    %scan3A_11 = arith.constant 1 : i32
    %scan3A_12 = scf.for %scan3A_70 = %scan3A_8 to %scan3A_10 step %scan3A_11 iter_args(%scan3A_71 = %scan3A_7) -> (i32)  : i32 {
      %jit3A = arith.constant 8 : i32
      %div3A = arith.divsi %scan3A_70, %jit3A : i32
      %sign3A = arith.constant 0 : i32
      %sign3A_72 = arith.cmpi sgt, %scan3A_70, %sign3A : i32
      %sign3A_73 = arith.extui %sign3A_72 : i1 to i32
      %sign3A_74 = arith.constant 0 : i32
      %sign3A_75 = arith.cmpi slt, %scan3A_70, %sign3A_74 : i32
      %sign3A_76 = arith.extui %sign3A_75 : i1 to i32
      %sign3A_77 = arith.subi %sign3A_73, %sign3A_76 : i32
      %sign3A_78 = arith.constant 0 : i32
      %sign3A_79 = arith.cmpi sgt, %jit3A, %sign3A_78 : i32
      %sign3A_80 = arith.extui %sign3A_79 : i1 to i32
      %sign3A_81 = arith.constant 0 : i32
      %sign3A_82 = arith.cmpi slt, %jit3A, %sign3A_81 : i32
      %sign3A_83 = arith.extui %sign3A_82 : i1 to i32
      %sign3A_84 = arith.subi %sign3A_80, %sign3A_83 : i32
      %ne3A = arith.cmpi ne, %sign3A_77, %sign3A_84 : i32
      %rem3A = arith.remsi %scan3A_70, %jit3A : i32
      %ne3A_85 = arith.constant 0 : i32
      %ne3A_86 = arith.cmpi ne, %rem3A, %ne3A_85 : i32
      %and3A = arith.andi %ne3A, %ne3A_86 : i1
      %sub3A = arith.constant 1 : i32
      %sub3A_87 = arith.subi %div3A, %sub3A : i32
      %select_n3A = arith.select %and3A, %sub3A_87, %div3A : i32
      %jit3A_88 = arith.constant 8 : i32
      %eq3A = arith.constant 0 : i32
      %eq3A_89 = arith.cmpi eq, %jit3A_88, %eq3A : i32
      %jit3A_90 = arith.constant 1 : i32
      %select_n3A_91 = arith.select %eq3A_89, %jit3A_90, %jit3A_88 : i32
      %rem3A_92 = arith.remsi %scan3A_70, %select_n3A_91 : i32
      %ne3A_93 = arith.constant 0 : i32
      %ne3A_94 = arith.cmpi ne, %rem3A_92, %ne3A_93 : i32
      %lt3A = arith.constant 0 : i32
      %lt3A_95 = arith.cmpi slt, %rem3A_92, %lt3A : i32
      %lt3A_96 = arith.constant 0 : i32
      %lt3A_97 = arith.cmpi slt, %select_n3A_91, %lt3A_96 : i32
      %ne3A_98 = arith.xori %lt3A_95, %lt3A_97 : i1
      %and3A_99 = arith.andi %ne3A_98, %ne3A_94 : i1
      %add3A_100 = arith.addi %rem3A_92, %select_n3A_91 : i32
      %select_n3A_101 = arith.select %and3A_99, %add3A_100, %rem3A_92 : i32
      %mul3A_102 = arith.constant 16 : i32
      %mul3A_103 = arith.muli %select_n3A_101, %mul3A_102 : i32
      %get3A = arith.index_cast %select_n3A : i32 to index
      %get3A_104 = arith.index_cast %mul3A_103 : i32 to index
      %get3A_105 = tpu.vector_load %arg5[%get3A, %get3A_104] {strides = array<i32>} : memref<176x128xi32, #tpu.memory_space<vmem>>, vector<1x16xi32>,
      %get3A_106 = vector.shape_cast %get3A_105 : vector<1x16xi32> to vector<16xi32>
      %shift_right_logical3A = arith.constant 14 : i32
      %shift_right_logical3A_107 = vector.broadcast %shift_right_logical3A : i32 to vector<16xi32>
      %shift_right_logical3A_108 = arith.shrui %get3A_106, %shift_right_logical3A_107 : vector<16xi32>
      %jit3A_109 = arith.constant 8 : i32
      %div3A_110 = arith.divsi %scan3A_70, %jit3A_109 : i32
      %sign3A_111 = arith.constant 0 : i32
      %sign3A_112 = arith.cmpi sgt, %scan3A_70, %sign3A_111 : i32
      %sign3A_113 = arith.extui %sign3A_112 : i1 to i32
      %sign3A_114 = arith.constant 0 : i32
      %sign3A_115 = arith.cmpi slt, %scan3A_70, %sign3A_114 : i32
      %sign3A_116 = arith.extui %sign3A_115 : i1 to i32
      %sign3A_117 = arith.subi %sign3A_113, %sign3A_116 : i32
      %sign3A_118 = arith.constant 0 : i32
      %sign3A_119 = arith.cmpi sgt, %jit3A_109, %sign3A_118 : i32
      %sign3A_120 = arith.extui %sign3A_119 : i1 to i32
      %sign3A_121 = arith.constant 0 : i32
      %sign3A_122 = arith.cmpi slt, %jit3A_109, %sign3A_121 : i32
      %sign3A_123 = arith.extui %sign3A_122 : i1 to i32
      %sign3A_124 = arith.subi %sign3A_120, %sign3A_123 : i32
      %ne3A_125 = arith.cmpi ne, %sign3A_117, %sign3A_124 : i32
      %rem3A_126 = arith.remsi %scan3A_70, %jit3A_109 : i32
      %ne3A_127 = arith.constant 0 : i32
      %ne3A_128 = arith.cmpi ne, %rem3A_126, %ne3A_127 : i32
      %and3A_129 = arith.andi %ne3A_125, %ne3A_128 : i1
      %sub3A_130 = arith.constant 1 : i32
      %sub3A_131 = arith.subi %div3A_110, %sub3A_130 : i32
      %select_n3A_132 = arith.select %and3A_129, %sub3A_131, %div3A_110 : i32
      %jit3A_133 = arith.constant 8 : i32
      %eq3A_134 = arith.constant 0 : i32
      %eq3A_135 = arith.cmpi eq, %jit3A_133, %eq3A_134 : i32
      %jit3A_136 = arith.constant 1 : i32
      %select_n3A_137 = arith.select %eq3A_135, %jit3A_136, %jit3A_133 : i32
      %rem3A_138 = arith.remsi %scan3A_70, %select_n3A_137 : i32
      %ne3A_139 = arith.constant 0 : i32
      %ne3A_140 = arith.cmpi ne, %rem3A_138, %ne3A_139 : i32
      %lt3A_141 = arith.constant 0 : i32
      %lt3A_142 = arith.cmpi slt, %rem3A_138, %lt3A_141 : i32
      %lt3A_143 = arith.constant 0 : i32
      %lt3A_144 = arith.cmpi slt, %select_n3A_137, %lt3A_143 : i32
      %ne3A_145 = arith.xori %lt3A_142, %lt3A_144 : i1
      %and3A_146 = arith.andi %ne3A_145, %ne3A_140 : i1
      %add3A_147 = arith.addi %rem3A_138, %select_n3A_137 : i32
      %select_n3A_148 = arith.select %and3A_146, %add3A_147, %rem3A_138 : i32
      %mul3A_149 = arith.constant 16 : i32
      %mul3A_150 = arith.muli %select_n3A_148, %mul3A_149 : i32
      %swap3A = arith.index_cast %select_n3A_132 : i32 to index
      %swap3A_151 = arith.index_cast %mul3A_150 : i32 to index
      %swap3A_152 = tpu.vector_load %arg6[%swap3A, %swap3A_151] {strides = array<i32>} : memref<176x128xi32, #tpu.memory_space<vmem>>, vector<1x16xi32>,
      %swap3A_153 = vector.shape_cast %swap3A_152 : vector<1x16xi32> to vector<16xi32>
      %swap3A_154 = vector.shape_cast %shift_right_logical3A_108 : vector<16xi32> to vector<1x16xi32>
      tpu.vector_store %arg6[%swap3A, %swap3A_151], %swap3A_154 {strides = array<i32>} : memref<176x128xi32, #tpu.memory_space<vmem>>, vector<1x16xi32>,
      %scan3A_155 = arith.constant 0 : i32
      scf.yield %scan3A_155 : i32
    }
    %scan3A_13 = arith.constant 1408 : i32
    %mul3A_14 = arith.constant 2 : i32
    %mul3A_15 = arith.muli %arg0, %mul3A_14 : i32
    %add3A = arith.constant 0 : i32
    %add3A_16 = arith.addi %mul3A_15, %add3A : i32
    %mul3A_17 = arith.constant 2560 : i32
    %mul3A_18 = arith.muli %add3A_16, %mul3A_17 : i32
    %scan3A_19 = arith.constant 0 : i32
    %scan3A_20 = arith.constant 0 : i32
    %scan3A_21 = arith.constant 1408 : i32
    %scan3A_22 = arith.addi %scan3A_20, %scan3A_21 : i32
    %scan3A_23 = arith.constant 1 : i32
    %scan3A_24 = scf.for %scan3A_70 = %scan3A_20 to %scan3A_22 step %scan3A_23 iter_args(%scan3A_71 = %scan3A_19) -> (i32)  : i32 {
      %jit3A = arith.constant 8 : i32
      %div3A = arith.divsi %scan3A_70, %jit3A : i32
      %sign3A = arith.constant 0 : i32
      %sign3A_72 = arith.cmpi sgt, %scan3A_70, %sign3A : i32
      %sign3A_73 = arith.extui %sign3A_72 : i1 to i32
      %sign3A_74 = arith.constant 0 : i32
      %sign3A_75 = arith.cmpi slt, %scan3A_70, %sign3A_74 : i32
      %sign3A_76 = arith.extui %sign3A_75 : i1 to i32
      %sign3A_77 = arith.subi %sign3A_73, %sign3A_76 : i32
      %sign3A_78 = arith.constant 0 : i32
      %sign3A_79 = arith.cmpi sgt, %jit3A, %sign3A_78 : i32
      %sign3A_80 = arith.extui %sign3A_79 : i1 to i32
      %sign3A_81 = arith.constant 0 : i32
      %sign3A_82 = arith.cmpi slt, %jit3A, %sign3A_81 : i32
      %sign3A_83 = arith.extui %sign3A_82 : i1 to i32
      %sign3A_84 = arith.subi %sign3A_80, %sign3A_83 : i32
      %ne3A = arith.cmpi ne, %sign3A_77, %sign3A_84 : i32
      %rem3A = arith.remsi %scan3A_70, %jit3A : i32
      %ne3A_85 = arith.constant 0 : i32
      %ne3A_86 = arith.cmpi ne, %rem3A, %ne3A_85 : i32
      %and3A = arith.andi %ne3A, %ne3A_86 : i1
      %sub3A = arith.constant 1 : i32
      %sub3A_87 = arith.subi %div3A, %sub3A : i32
      %select_n3A = arith.select %and3A, %sub3A_87, %div3A : i32
      %jit3A_88 = arith.constant 8 : i32
      %eq3A = arith.constant 0 : i32
      %eq3A_89 = arith.cmpi eq, %jit3A_88, %eq3A : i32
      %jit3A_90 = arith.constant 1 : i32
      %select_n3A_91 = arith.select %eq3A_89, %jit3A_90, %jit3A_88 : i32
      %rem3A_92 = arith.remsi %scan3A_70, %select_n3A_91 : i32
      %ne3A_93 = arith.constant 0 : i32
      %ne3A_94 = arith.cmpi ne, %rem3A_92, %ne3A_93 : i32
      %lt3A = arith.constant 0 : i32
      %lt3A_95 = arith.cmpi slt, %rem3A_92, %lt3A : i32
      %lt3A_96 = arith.constant 0 : i32
      %lt3A_97 = arith.cmpi slt, %select_n3A_91, %lt3A_96 : i32
      %ne3A_98 = arith.xori %lt3A_95, %lt3A_97 : i1
      %and3A_99 = arith.andi %ne3A_98, %ne3A_94 : i1
      %add3A_100 = arith.addi %rem3A_92, %select_n3A_91 : i32
      %select_n3A_101 = arith.select %and3A_99, %add3A_100, %rem3A_92 : i32
      %mul3A_102 = arith.constant 16 : i32
      %mul3A_103 = arith.muli %select_n3A_101, %mul3A_102 : i32
      %get3A = arith.index_cast %select_n3A : i32 to index
      %get3A_104 = arith.index_cast %mul3A_103 : i32 to index
      %get3A_105 = tpu.vector_load %arg5[%get3A, %get3A_104] {strides = array<i32>} : memref<176x128xi32, #tpu.memory_space<vmem>>, vector<1x16xi32>,
      %get3A_106 = vector.shape_cast %get3A_105 : vector<1x16xi32> to vector<16xi32>
      %and3A_107 = arith.constant 16383 : i32
      %and3A_108 = vector.broadcast %and3A_107 : i32 to vector<16xi32>
      %and3A_109 = arith.andi %get3A_106, %and3A_108 : vector<16xi32>
      %sub3A_110 = vector.broadcast %mul3A_18 : i32 to vector<16xi32>
      %sub3A_111 = arith.subi %and3A_109, %sub3A_110 : vector<16xi32>
      %ge3A = arith.constant 0 : i32
      %ge3A_112 = vector.broadcast %ge3A : i32 to vector<16xi32>
      %ge3A_113 = arith.cmpi sge, %sub3A_111, %ge3A_112 : vector<16xi32>
      %lt3A_114 = arith.constant 2560 : i32
      %lt3A_115 = vector.broadcast %lt3A_114 : i32 to vector<16xi32>
      %lt3A_116 = arith.cmpi slt, %sub3A_111, %lt3A_115 : vector<16xi32>
      %and3A_117 = arith.andi %ge3A_113, %lt3A_116 : vector<16xi1>
      %jit3A_118 = arith.constant 2560 : i32
      %broadcast_in_dim3A = vector.broadcast %jit3A_118 : i32 to vector<16xi32>
      %select_n3A_119 = arith.select %and3A_117, %sub3A_111, %broadcast_in_dim3A : vector<16xi1>, vector<16xi32>
      %jit3A_120 = arith.constant 8 : i32
      %div3A_121 = arith.divsi %scan3A_70, %jit3A_120 : i32
      %sign3A_122 = arith.constant 0 : i32
      %sign3A_123 = arith.cmpi sgt, %scan3A_70, %sign3A_122 : i32
      %sign3A_124 = arith.extui %sign3A_123 : i1 to i32
      %sign3A_125 = arith.constant 0 : i32
      %sign3A_126 = arith.cmpi slt, %scan3A_70, %sign3A_125 : i32
      %sign3A_127 = arith.extui %sign3A_126 : i1 to i32
      %sign3A_128 = arith.subi %sign3A_124, %sign3A_127 : i32
      %sign3A_129 = arith.constant 0 : i32
      %sign3A_130 = arith.cmpi sgt, %jit3A_120, %sign3A_129 : i32
      %sign3A_131 = arith.extui %sign3A_130 : i1 to i32
      %sign3A_132 = arith.constant 0 : i32
      %sign3A_133 = arith.cmpi slt, %jit3A_120, %sign3A_132 : i32
      %sign3A_134 = arith.extui %sign3A_133 : i1 to i32
      %sign3A_135 = arith.subi %sign3A_131, %sign3A_134 : i32
      %ne3A_136 = arith.cmpi ne, %sign3A_128, %sign3A_135 : i32
      %rem3A_137 = arith.remsi %scan3A_70, %jit3A_120 : i32
      %ne3A_138 = arith.constant 0 : i32
      %ne3A_139 = arith.cmpi ne, %rem3A_137, %ne3A_138 : i32
      %and3A_140 = arith.andi %ne3A_136, %ne3A_139 : i1
      %sub3A_141 = arith.constant 1 : i32
      %sub3A_142 = arith.subi %div3A_121, %sub3A_141 : i32
      %select_n3A_143 = arith.select %and3A_140, %sub3A_142, %div3A_121 : i32
      %jit3A_144 = arith.constant 8 : i32
      %eq3A_145 = arith.constant 0 : i32
      %eq3A_146 = arith.cmpi eq, %jit3A_144, %eq3A_145 : i32
      %jit3A_147 = arith.constant 1 : i32
      %select_n3A_148 = arith.select %eq3A_146, %jit3A_147, %jit3A_144 : i32
      %rem3A_149 = arith.remsi %scan3A_70, %select_n3A_148 : i32
      %ne3A_150 = arith.constant 0 : i32
      %ne3A_151 = arith.cmpi ne, %rem3A_149, %ne3A_150 : i32
      %lt3A_152 = arith.constant 0 : i32
      %lt3A_153 = arith.cmpi slt, %rem3A_149, %lt3A_152 : i32
      %lt3A_154 = arith.constant 0 : i32
      %lt3A_155 = arith.cmpi slt, %select_n3A_148, %lt3A_154 : i32
      %ne3A_156 = arith.xori %lt3A_153, %lt3A_155 : i1
      %and3A_157 = arith.andi %ne3A_156, %ne3A_151 : i1
      %add3A_158 = arith.addi %rem3A_149, %select_n3A_148 : i32
      %select_n3A_159 = arith.select %and3A_157, %add3A_158, %rem3A_149 : i32
      %mul3A_160 = arith.constant 16 : i32
      %mul3A_161 = arith.muli %select_n3A_159, %mul3A_160 : i32
      %swap3A = arith.index_cast %select_n3A_143 : i32 to index
      %swap3A_162 = arith.index_cast %mul3A_161 : i32 to index
      %swap3A_163 = tpu.vector_load %arg7[%swap3A, %swap3A_162] {strides = array<i32>} : memref<176x128xi32, #tpu.memory_space<vmem>>, vector<1x16xi32>,
      %swap3A_164 = vector.shape_cast %swap3A_163 : vector<1x16xi32> to vector<16xi32>
      %swap3A_165 = vector.shape_cast %select_n3A_119 : vector<16xi32> to vector<1x16xi32>
      tpu.vector_store %arg7[%swap3A, %swap3A_162], %swap3A_165 {strides = array<i32>} : memref<176x128xi32, #tpu.memory_space<vmem>>, vector<1x16xi32>,
      %scan3A_166 = arith.constant 0 : i32
      scf.yield %scan3A_166 : i32
    }
    %scan3A_25 = arith.constant 1408 : i32
    %mul3A_26 = arith.constant 160 : i32
    %mul3A_27 = arith.muli %arg1, %mul3A_26 : i32
    "tpu.region"() ({
      %run_scoped3A = tpu.sem_alloc : memref<!tpu.dma_semaphore, #tpu.memory_space<semaphore_mem>>
      %dma_start3A = arith.constant 0 : i32
      %dma_start3A_70 = tpu.memref_slice %arg10[%mul3A_27, %dma_start3A] : memref<2568x128xf32, #tpu.memory_space<vmem_shared>> -> memref<160x128xf32, #tpu.memory_space<vmem_shared>>
      %dma_start3A_71 = arith.constant 0 : i32
      %dma_start3A_72 = tpu.memref_slice %arg10[%mul3A_27, %dma_start3A_71] : memref<2568x128xf32, #tpu.memory_space<vmem_shared>> -> memref<160x128xf32, #tpu.memory_space<vmem_shared>>
      tpu.enqueue_dma source(%arg9 : memref<160x128xf32, #tpu.memory_space<vmem>>) target(%dma_start3A_72 : memref<160x128xf32, #tpu.memory_space<vmem_shared>>) target_semaphore(%run_scoped3A : memref<!tpu.dma_semaphore, #tpu.memory_space<semaphore_mem>>)
      %dma_wait3A = arith.constant 0 : i32
      %dma_wait3A_73 = tpu.memref_slice %arg10[%mul3A_27, %dma_wait3A] : memref<2568x128xf32, #tpu.memory_space<vmem_shared>> -> memref<160x128xf32, #tpu.memory_space<vmem_shared>>
      %dma_wait3A_74 = arith.constant 0 : i32
      %dma_wait3A_75 = tpu.memref_slice %arg10[%mul3A_27, %dma_wait3A_74] : memref<2568x128xf32, #tpu.memory_space<vmem_shared>> -> memref<160x128xf32, #tpu.memory_space<vmem_shared>>
      tpu.wait_dma2 semaphore(%run_scoped3A : memref<!tpu.dma_semaphore, #tpu.memory_space<semaphore_mem>>) src(%arg9 : memref<160x128xf32, #tpu.memory_space<vmem>>) dst(%dma_wait3A_75 : memref<160x128xf32, #tpu.memory_space<vmem_shared>>)
      tpu.yield
    }) : () -> ()
    %barrier3A = arith.constant 0 : index
    tpu.barrier barrier_id(%barrier3A)
    %scan3A_28 = arith.constant 0 : i32
    %scan3A_29 = arith.constant 0 : i32
    %scan3A_30 = arith.constant 176 : i32
    %scan3A_31 = arith.addi %scan3A_29, %scan3A_30 : i32
    %scan3A_32 = arith.constant 1 : i32
    %scan3A_33 = scf.for %scan3A_70 = %scan3A_29 to %scan3A_31 step %scan3A_32 iter_args(%scan3A_71 = %scan3A_28) -> (i32)  : i32 {
      %dma_start3A = arith.constant 0 : i32
      %dma_start3A_72 = tpu.memref_slice %arg6[%scan3A_70, %dma_start3A] : memref<176x128xi32, #tpu.memory_space<vmem>> -> memref<1x128xi32, #tpu.memory_space<vmem>>
      %dma_start3A_73 = tpu.memref_squeeze %dma_start3A_72 : memref<1x128xi32, #tpu.memory_space<vmem>> -> memref<128xi32, #tpu.memory_space<vmem>>
      %dma_start3A_74 = arith.constant 0 : i32
      %dma_start3A_75 = arith.constant 0 : i32
      %dma_start3A_76 = tpu.memref_slice %arg2[%dma_start3A_74, %dma_start3A_75] : memref<10000x128xf32, #tpu.memory_space<hbm>> -> memref<10000x128xf32, #tpu.memory_space<hbm>>
      tpu.enqueue_indirect_dma source(%dma_start3A_76 : memref<10000x128xf32, #tpu.memory_space<hbm>>) target(%arg8 : memref<128x128xf32, #tpu.memory_space<vmem>>) offsets(%dma_start3A_73 : memref<128xi32, #tpu.memory_space<vmem>>) semaphore(%arg11 : memref<!tpu.dma_semaphore, #tpu.memory_space<semaphore_mem>>)
      %dma_wait3A = arith.constant 0 : i32
      %dma_wait3A_77 = tpu.memref_slice %arg6[%scan3A_70, %dma_wait3A] : memref<176x128xi32, #tpu.memory_space<vmem>> -> memref<1x128xi32, #tpu.memory_space<vmem>>
      %dma_wait3A_78 = tpu.memref_squeeze %dma_wait3A_77 : memref<1x128xi32, #tpu.memory_space<vmem>> -> memref<128xi32, #tpu.memory_space<vmem>>
      %dma_wait3A_79 = arith.constant 0 : i32
      %dma_wait3A_80 = arith.constant 0 : i32
      %dma_wait3A_81 = tpu.memref_slice %arg2[%dma_wait3A_79, %dma_wait3A_80] : memref<10000x128xf32, #tpu.memory_space<hbm>> -> memref<10000x128xf32, #tpu.memory_space<hbm>>
      tpu.wait_indirect_dma semaphore(%arg11 : memref<!tpu.dma_semaphore, #tpu.memory_space<semaphore_mem>>) src(%dma_wait3A_81 : memref<10000x128xf32, #tpu.memory_space<hbm>>) dst(%arg8 : memref<128x128xf32, #tpu.memory_space<vmem>>)
      "tpu.region"() ({
        %run_scoped3A = tpu.sem_alloc : memref<!tpu.dma_semaphore, #tpu.memory_space<semaphore_mem>>
        %dma_start3A_83 = arith.constant 0 : i32
        %dma_start3A_84 = tpu.memref_slice %arg7[%scan3A_70, %dma_start3A_83] : memref<176x128xi32, #tpu.memory_space<vmem>> -> memref<1x128xi32, #tpu.memory_space<vmem>>
        %dma_start3A_85 = tpu.memref_squeeze %dma_start3A_84 : memref<1x128xi32, #tpu.memory_space<vmem>> -> memref<128xi32, #tpu.memory_space<vmem>>
        %dma_start3A_86 = arith.constant 0 : i32
        %dma_start3A_87 = arith.constant 0 : i32
        %dma_start3A_88 = tpu.memref_slice %arg10[%dma_start3A_86, %dma_start3A_87] : memref<2568x128xf32, #tpu.memory_space<vmem_shared>> -> memref<2568x128xf32, #tpu.memory_space<vmem_shared>>
        tpu.enqueue_indirect_dma source(%arg8 : memref<128x128xf32, #tpu.memory_space<vmem>>) target(%dma_start3A_88 : memref<2568x128xf32, #tpu.memory_space<vmem_shared>>) offsets(%dma_start3A_85 : memref<128xi32, #tpu.memory_space<vmem>>) semaphore(%run_scoped3A : memref<!tpu.dma_semaphore, #tpu.memory_space<semaphore_mem>>) {add = true}
        %dma_wait3A_89 = arith.constant 0 : i32
        %dma_wait3A_90 = tpu.memref_slice %arg7[%scan3A_70, %dma_wait3A_89] : memref<176x128xi32, #tpu.memory_space<vmem>> -> memref<1x128xi32, #tpu.memory_space<vmem>>
        %dma_wait3A_91 = tpu.memref_squeeze %dma_wait3A_90 : memref<1x128xi32, #tpu.memory_space<vmem>> -> memref<128xi32, #tpu.memory_space<vmem>>
        %dma_wait3A_92 = arith.constant 0 : i32
        %dma_wait3A_93 = arith.constant 0 : i32
        %dma_wait3A_94 = tpu.memref_slice %arg10[%dma_wait3A_92, %dma_wait3A_93] : memref<2568x128xf32, #tpu.memory_space<vmem_shared>> -> memref<2568x128xf32, #tpu.memory_space<vmem_shared>>
        tpu.wait_indirect_dma semaphore(%run_scoped3A : memref<!tpu.dma_semaphore, #tpu.memory_space<semaphore_mem>>) src(%arg8 : memref<128x128xf32, #tpu.memory_space<vmem>>) dst(%dma_wait3A_94 : memref<2568x128xf32, #tpu.memory_space<vmem_shared>>)
        tpu.yield
      }) : () -> ()
      %scan3A_82 = arith.constant 0 : i32
      scf.yield %scan3A_82 : i32
    }
    %scan3A_34 = arith.constant 176 : i32
    %barrier3A_35 = arith.constant 0 : index
    tpu.barrier barrier_id(%barrier3A_35)
    %mul3A_36 = arith.constant 160 : i32
    %mul3A_37 = arith.muli %arg1, %mul3A_36 : i32
    %mul3A_38 = arith.constant 160 : i32
    %mul3A_39 = arith.muli %arg1, %mul3A_38 : i32
    "tpu.region"() ({
      %run_scoped3A = tpu.sem_alloc : memref<!tpu.dma_semaphore, #tpu.memory_space<semaphore_mem>>
      %dma_start3A = arith.constant 0 : i32
      %dma_start3A_70 = tpu.memref_slice %arg4[%add3A_16, %mul3A_39, %dma_start3A] : memref<4x2560x128xf32, #tpu.memory_space<hbm>> -> memref<1x160x128xf32, #tpu.memory_space<hbm>>
      %dma_start3A_71 = tpu.memref_squeeze %dma_start3A_70 : memref<1x160x128xf32, #tpu.memory_space<hbm>> -> memref<160x128xf32, #tpu.memory_space<hbm>>
      %dma_start3A_72 = arith.constant 0 : i32
      %dma_start3A_73 = tpu.memref_slice %arg10[%mul3A_37, %dma_start3A_72] : memref<2568x128xf32, #tpu.memory_space<vmem_shared>> -> memref<160x128xf32, #tpu.memory_space<vmem_shared>>
      tpu.enqueue_dma source(%dma_start3A_73 : memref<160x128xf32, #tpu.memory_space<vmem_shared>>) target(%dma_start3A_71 : memref<160x128xf32, #tpu.memory_space<hbm>>) target_semaphore(%run_scoped3A : memref<!tpu.dma_semaphore, #tpu.memory_space<semaphore_mem>>)
      %dma_wait3A = arith.constant 0 : i32
      %dma_wait3A_74 = tpu.memref_slice %arg4[%add3A_16, %mul3A_39, %dma_wait3A] : memref<4x2560x128xf32, #tpu.memory_space<hbm>> -> memref<1x160x128xf32, #tpu.memory_space<hbm>>
      %dma_wait3A_75 = tpu.memref_squeeze %dma_wait3A_74 : memref<1x160x128xf32, #tpu.memory_space<hbm>> -> memref<160x128xf32, #tpu.memory_space<hbm>>
      %dma_wait3A_76 = arith.constant 0 : i32
      %dma_wait3A_77 = tpu.memref_slice %arg10[%mul3A_37, %dma_wait3A_76] : memref<2568x128xf32, #tpu.memory_space<vmem_shared>> -> memref<160x128xf32, #tpu.memory_space<vmem_shared>>
      tpu.wait_dma2 semaphore(%run_scoped3A : memref<!tpu.dma_semaphore, #tpu.memory_space<semaphore_mem>>) src(%dma_wait3A_77 : memref<160x128xf32, #tpu.memory_space<vmem_shared>>) dst(%dma_wait3A_75 : memref<160x128xf32, #tpu.memory_space<hbm>>)
      tpu.yield
    }) : () -> ()
    %barrier3A_40 = arith.constant 0 : index
    tpu.barrier barrier_id(%barrier3A_40)
    %mul3A_41 = arith.constant 2 : i32
    %mul3A_42 = arith.muli %arg0, %mul3A_41 : i32
    %add3A_43 = arith.constant 1 : i32
    %add3A_44 = arith.addi %mul3A_42, %add3A_43 : i32
    %mul3A_45 = arith.constant 2560 : i32
    %mul3A_46 = arith.muli %add3A_44, %mul3A_45 : i32
    %scan3A_47 = arith.constant 0 : i32
    %scan3A_48 = arith.constant 0 : i32
    %scan3A_49 = arith.constant 1408 : i32
    %scan3A_50 = arith.addi %scan3A_48, %scan3A_49 : i32
    %scan3A_51 = arith.constant 1 : i32
    %scan3A_52 = scf.for %scan3A_70 = %scan3A_48 to %scan3A_50 step %scan3A_51 iter_args(%scan3A_71 = %scan3A_47) -> (i32)  : i32 {
      %jit3A = arith.constant 8 : i32
      %div3A = arith.divsi %scan3A_70, %jit3A : i32
      %sign3A = arith.constant 0 : i32
      %sign3A_72 = arith.cmpi sgt, %scan3A_70, %sign3A : i32
      %sign3A_73 = arith.extui %sign3A_72 : i1 to i32
      %sign3A_74 = arith.constant 0 : i32
      %sign3A_75 = arith.cmpi slt, %scan3A_70, %sign3A_74 : i32
      %sign3A_76 = arith.extui %sign3A_75 : i1 to i32
      %sign3A_77 = arith.subi %sign3A_73, %sign3A_76 : i32
      %sign3A_78 = arith.constant 0 : i32
      %sign3A_79 = arith.cmpi sgt, %jit3A, %sign3A_78 : i32
      %sign3A_80 = arith.extui %sign3A_79 : i1 to i32
      %sign3A_81 = arith.constant 0 : i32
      %sign3A_82 = arith.cmpi slt, %jit3A, %sign3A_81 : i32
      %sign3A_83 = arith.extui %sign3A_82 : i1 to i32
      %sign3A_84 = arith.subi %sign3A_80, %sign3A_83 : i32
      %ne3A = arith.cmpi ne, %sign3A_77, %sign3A_84 : i32
      %rem3A = arith.remsi %scan3A_70, %jit3A : i32
      %ne3A_85 = arith.constant 0 : i32
      %ne3A_86 = arith.cmpi ne, %rem3A, %ne3A_85 : i32
      %and3A = arith.andi %ne3A, %ne3A_86 : i1
      %sub3A = arith.constant 1 : i32
      %sub3A_87 = arith.subi %div3A, %sub3A : i32
      %select_n3A = arith.select %and3A, %sub3A_87, %div3A : i32
      %jit3A_88 = arith.constant 8 : i32
      %eq3A = arith.constant 0 : i32
      %eq3A_89 = arith.cmpi eq, %jit3A_88, %eq3A : i32
      %jit3A_90 = arith.constant 1 : i32
      %select_n3A_91 = arith.select %eq3A_89, %jit3A_90, %jit3A_88 : i32
      %rem3A_92 = arith.remsi %scan3A_70, %select_n3A_91 : i32
      %ne3A_93 = arith.constant 0 : i32
      %ne3A_94 = arith.cmpi ne, %rem3A_92, %ne3A_93 : i32
      %lt3A = arith.constant 0 : i32
      %lt3A_95 = arith.cmpi slt, %rem3A_92, %lt3A : i32
      %lt3A_96 = arith.constant 0 : i32
      %lt3A_97 = arith.cmpi slt, %select_n3A_91, %lt3A_96 : i32
      %ne3A_98 = arith.xori %lt3A_95, %lt3A_97 : i1
      %and3A_99 = arith.andi %ne3A_98, %ne3A_94 : i1
      %add3A_100 = arith.addi %rem3A_92, %select_n3A_91 : i32
      %select_n3A_101 = arith.select %and3A_99, %add3A_100, %rem3A_92 : i32
      %mul3A_102 = arith.constant 16 : i32
      %mul3A_103 = arith.muli %select_n3A_101, %mul3A_102 : i32
      %get3A = arith.index_cast %select_n3A : i32 to index
      %get3A_104 = arith.index_cast %mul3A_103 : i32 to index
      %get3A_105 = tpu.vector_load %arg5[%get3A, %get3A_104] {strides = array<i32>} : memref<176x128xi32, #tpu.memory_space<vmem>>, vector<1x16xi32>,
      %get3A_106 = vector.shape_cast %get3A_105 : vector<1x16xi32> to vector<16xi32>
      %and3A_107 = arith.constant 16383 : i32
      %and3A_108 = vector.broadcast %and3A_107 : i32 to vector<16xi32>
      %and3A_109 = arith.andi %get3A_106, %and3A_108 : vector<16xi32>
      %sub3A_110 = vector.broadcast %mul3A_46 : i32 to vector<16xi32>
      %sub3A_111 = arith.subi %and3A_109, %sub3A_110 : vector<16xi32>
      %ge3A = arith.constant 0 : i32
      %ge3A_112 = vector.broadcast %ge3A : i32 to vector<16xi32>
      %ge3A_113 = arith.cmpi sge, %sub3A_111, %ge3A_112 : vector<16xi32>
      %lt3A_114 = arith.constant 2560 : i32
      %lt3A_115 = vector.broadcast %lt3A_114 : i32 to vector<16xi32>
      %lt3A_116 = arith.cmpi slt, %sub3A_111, %lt3A_115 : vector<16xi32>
      %and3A_117 = arith.andi %ge3A_113, %lt3A_116 : vector<16xi1>
      %jit3A_118 = arith.constant 2560 : i32
      %broadcast_in_dim3A = vector.broadcast %jit3A_118 : i32 to vector<16xi32>
      %select_n3A_119 = arith.select %and3A_117, %sub3A_111, %broadcast_in_dim3A : vector<16xi1>, vector<16xi32>
      %jit3A_120 = arith.constant 8 : i32
      %div3A_121 = arith.divsi %scan3A_70, %jit3A_120 : i32
      %sign3A_122 = arith.constant 0 : i32
      %sign3A_123 = arith.cmpi sgt, %scan3A_70, %sign3A_122 : i32
      %sign3A_124 = arith.extui %sign3A_123 : i1 to i32
      %sign3A_125 = arith.constant 0 : i32
      %sign3A_126 = arith.cmpi slt, %scan3A_70, %sign3A_125 : i32
      %sign3A_127 = arith.extui %sign3A_126 : i1 to i32
      %sign3A_128 = arith.subi %sign3A_124, %sign3A_127 : i32
      %sign3A_129 = arith.constant 0 : i32
      %sign3A_130 = arith.cmpi sgt, %jit3A_120, %sign3A_129 : i32
      %sign3A_131 = arith.extui %sign3A_130 : i1 to i32
      %sign3A_132 = arith.constant 0 : i32
      %sign3A_133 = arith.cmpi slt, %jit3A_120, %sign3A_132 : i32
      %sign3A_134 = arith.extui %sign3A_133 : i1 to i32
      %sign3A_135 = arith.subi %sign3A_131, %sign3A_134 : i32
      %ne3A_136 = arith.cmpi ne, %sign3A_128, %sign3A_135 : i32
      %rem3A_137 = arith.remsi %scan3A_70, %jit3A_120 : i32
      %ne3A_138 = arith.constant 0 : i32
      %ne3A_139 = arith.cmpi ne, %rem3A_137, %ne3A_138 : i32
      %and3A_140 = arith.andi %ne3A_136, %ne3A_139 : i1
      %sub3A_141 = arith.constant 1 : i32
      %sub3A_142 = arith.subi %div3A_121, %sub3A_141 : i32
      %select_n3A_143 = arith.select %and3A_140, %sub3A_142, %div3A_121 : i32
      %jit3A_144 = arith.constant 8 : i32
      %eq3A_145 = arith.constant 0 : i32
      %eq3A_146 = arith.cmpi eq, %jit3A_144, %eq3A_145 : i32
      %jit3A_147 = arith.constant 1 : i32
      %select_n3A_148 = arith.select %eq3A_146, %jit3A_147, %jit3A_144 : i32
      %rem3A_149 = arith.remsi %scan3A_70, %select_n3A_148 : i32
      %ne3A_150 = arith.constant 0 : i32
      %ne3A_151 = arith.cmpi ne, %rem3A_149, %ne3A_150 : i32
      %lt3A_152 = arith.constant 0 : i32
      %lt3A_153 = arith.cmpi slt, %rem3A_149, %lt3A_152 : i32
      %lt3A_154 = arith.constant 0 : i32
      %lt3A_155 = arith.cmpi slt, %select_n3A_148, %lt3A_154 : i32
      %ne3A_156 = arith.xori %lt3A_153, %lt3A_155 : i1
      %and3A_157 = arith.andi %ne3A_156, %ne3A_151 : i1
      %add3A_158 = arith.addi %rem3A_149, %select_n3A_148 : i32
      %select_n3A_159 = arith.select %and3A_157, %add3A_158, %rem3A_149 : i32
      %mul3A_160 = arith.constant 16 : i32
      %mul3A_161 = arith.muli %select_n3A_159, %mul3A_160 : i32
      %swap3A = arith.index_cast %select_n3A_143 : i32 to index
      %swap3A_162 = arith.index_cast %mul3A_161 : i32 to index
      %swap3A_163 = tpu.vector_load %arg7[%swap3A, %swap3A_162] {strides = array<i32>} : memref<176x128xi32, #tpu.memory_space<vmem>>, vector<1x16xi32>,
      %swap3A_164 = vector.shape_cast %swap3A_163 : vector<1x16xi32> to vector<16xi32>
      %swap3A_165 = vector.shape_cast %select_n3A_119 : vector<16xi32> to vector<1x16xi32>
      tpu.vector_store %arg7[%swap3A, %swap3A_162], %swap3A_165 {strides = array<i32>} : memref<176x128xi32, #tpu.memory_space<vmem>>, vector<1x16xi32>,
      %scan3A_166 = arith.constant 0 : i32
      scf.yield %scan3A_166 : i32
    }
    %scan3A_53 = arith.constant 1408 : i32
    %mul3A_54 = arith.constant 160 : i32
    %mul3A_55 = arith.muli %arg1, %mul3A_54 : i32
    "tpu.region"() ({
      %run_scoped3A = tpu.sem_alloc : memref<!tpu.dma_semaphore, #tpu.memory_space<semaphore_mem>>
      %dma_start3A = arith.constant 0 : i32
      %dma_start3A_70 = tpu.memref_slice %arg10[%mul3A_55, %dma_start3A] : memref<2568x128xf32, #tpu.memory_space<vmem_shared>> -> memref<160x128xf32, #tpu.memory_space<vmem_shared>>
      %dma_start3A_71 = arith.constant 0 : i32
      %dma_start3A_72 = tpu.memref_slice %arg10[%mul3A_55, %dma_start3A_71] : memref<2568x128xf32, #tpu.memory_space<vmem_shared>> -> memref<160x128xf32, #tpu.memory_space<vmem_shared>>
      tpu.enqueue_dma source(%arg9 : memref<160x128xf32, #tpu.memory_space<vmem>>) target(%dma_start3A_72 : memref<160x128xf32, #tpu.memory_space<vmem_shared>>) target_semaphore(%run_scoped3A : memref<!tpu.dma_semaphore, #tpu.memory_space<semaphore_mem>>)
      %dma_wait3A = arith.constant 0 : i32
      %dma_wait3A_73 = tpu.memref_slice %arg10[%mul3A_55, %dma_wait3A] : memref<2568x128xf32, #tpu.memory_space<vmem_shared>> -> memref<160x128xf32, #tpu.memory_space<vmem_shared>>
      %dma_wait3A_74 = arith.constant 0 : i32
      %dma_wait3A_75 = tpu.memref_slice %arg10[%mul3A_55, %dma_wait3A_74] : memref<2568x128xf32, #tpu.memory_space<vmem_shared>> -> memref<160x128xf32, #tpu.memory_space<vmem_shared>>
      tpu.wait_dma2 semaphore(%run_scoped3A : memref<!tpu.dma_semaphore, #tpu.memory_space<semaphore_mem>>) src(%arg9 : memref<160x128xf32, #tpu.memory_space<vmem>>) dst(%dma_wait3A_75 : memref<160x128xf32, #tpu.memory_space<vmem_shared>>)
      tpu.yield
    }) : () -> ()
    %barrier3A_56 = arith.constant 0 : index
    tpu.barrier barrier_id(%barrier3A_56)
    %scan3A_57 = arith.constant 0 : i32
    %scan3A_58 = arith.constant 0 : i32
    %scan3A_59 = arith.constant 176 : i32
    %scan3A_60 = arith.addi %scan3A_58, %scan3A_59 : i32
    %scan3A_61 = arith.constant 1 : i32
    %scan3A_62 = scf.for %scan3A_70 = %scan3A_58 to %scan3A_60 step %scan3A_61 iter_args(%scan3A_71 = %scan3A_57) -> (i32)  : i32 {
      %dma_start3A = arith.constant 0 : i32
      %dma_start3A_72 = tpu.memref_slice %arg6[%scan3A_70, %dma_start3A] : memref<176x128xi32, #tpu.memory_space<vmem>> -> memref<1x128xi32, #tpu.memory_space<vmem>>
      %dma_start3A_73 = tpu.memref_squeeze %dma_start3A_72 : memref<1x128xi32, #tpu.memory_space<vmem>> -> memref<128xi32, #tpu.memory_space<vmem>>
      %dma_start3A_74 = arith.constant 0 : i32
      %dma_start3A_75 = arith.constant 0 : i32
      %dma_start3A_76 = tpu.memref_slice %arg2[%dma_start3A_74, %dma_start3A_75] : memref<10000x128xf32, #tpu.memory_space<hbm>> -> memref<10000x128xf32, #tpu.memory_space<hbm>>
      tpu.enqueue_indirect_dma source(%dma_start3A_76 : memref<10000x128xf32, #tpu.memory_space<hbm>>) target(%arg8 : memref<128x128xf32, #tpu.memory_space<vmem>>) offsets(%dma_start3A_73 : memref<128xi32, #tpu.memory_space<vmem>>) semaphore(%arg11 : memref<!tpu.dma_semaphore, #tpu.memory_space<semaphore_mem>>)
      %dma_wait3A = arith.constant 0 : i32
      %dma_wait3A_77 = tpu.memref_slice %arg6[%scan3A_70, %dma_wait3A] : memref<176x128xi32, #tpu.memory_space<vmem>> -> memref<1x128xi32, #tpu.memory_space<vmem>>
      %dma_wait3A_78 = tpu.memref_squeeze %dma_wait3A_77 : memref<1x128xi32, #tpu.memory_space<vmem>> -> memref<128xi32, #tpu.memory_space<vmem>>
      %dma_wait3A_79 = arith.constant 0 : i32
      %dma_wait3A_80 = arith.constant 0 : i32
      %dma_wait3A_81 = tpu.memref_slice %arg2[%dma_wait3A_79, %dma_wait3A_80] : memref<10000x128xf32, #tpu.memory_space<hbm>> -> memref<10000x128xf32, #tpu.memory_space<hbm>>
      tpu.wait_indirect_dma semaphore(%arg11 : memref<!tpu.dma_semaphore, #tpu.memory_space<semaphore_mem>>) src(%dma_wait3A_81 : memref<10000x128xf32, #tpu.memory_space<hbm>>) dst(%arg8 : memref<128x128xf32, #tpu.memory_space<vmem>>)
      "tpu.region"() ({
        %run_scoped3A = tpu.sem_alloc : memref<!tpu.dma_semaphore, #tpu.memory_space<semaphore_mem>>
        %dma_start3A_83 = arith.constant 0 : i32
        %dma_start3A_84 = tpu.memref_slice %arg7[%scan3A_70, %dma_start3A_83] : memref<176x128xi32, #tpu.memory_space<vmem>> -> memref<1x128xi32, #tpu.memory_space<vmem>>
        %dma_start3A_85 = tpu.memref_squeeze %dma_start3A_84 : memref<1x128xi32, #tpu.memory_space<vmem>> -> memref<128xi32, #tpu.memory_space<vmem>>
        %dma_start3A_86 = arith.constant 0 : i32
        %dma_start3A_87 = arith.constant 0 : i32
        %dma_start3A_88 = tpu.memref_slice %arg10[%dma_start3A_86, %dma_start3A_87] : memref<2568x128xf32, #tpu.memory_space<vmem_shared>> -> memref<2568x128xf32, #tpu.memory_space<vmem_shared>>
        tpu.enqueue_indirect_dma source(%arg8 : memref<128x128xf32, #tpu.memory_space<vmem>>) target(%dma_start3A_88 : memref<2568x128xf32, #tpu.memory_space<vmem_shared>>) offsets(%dma_start3A_85 : memref<128xi32, #tpu.memory_space<vmem>>) semaphore(%run_scoped3A : memref<!tpu.dma_semaphore, #tpu.memory_space<semaphore_mem>>) {add = true}
        %dma_wait3A_89 = arith.constant 0 : i32
        %dma_wait3A_90 = tpu.memref_slice %arg7[%scan3A_70, %dma_wait3A_89] : memref<176x128xi32, #tpu.memory_space<vmem>> -> memref<1x128xi32, #tpu.memory_space<vmem>>
        %dma_wait3A_91 = tpu.memref_squeeze %dma_wait3A_90 : memref<1x128xi32, #tpu.memory_space<vmem>> -> memref<128xi32, #tpu.memory_space<vmem>>
        %dma_wait3A_92 = arith.constant 0 : i32
        %dma_wait3A_93 = arith.constant 0 : i32
        %dma_wait3A_94 = tpu.memref_slice %arg10[%dma_wait3A_92, %dma_wait3A_93] : memref<2568x128xf32, #tpu.memory_space<vmem_shared>> -> memref<2568x128xf32, #tpu.memory_space<vmem_shared>>
        tpu.wait_indirect_dma semaphore(%run_scoped3A : memref<!tpu.dma_semaphore, #tpu.memory_space<semaphore_mem>>) src(%arg8 : memref<128x128xf32, #tpu.memory_space<vmem>>) dst(%dma_wait3A_94 : memref<2568x128xf32, #tpu.memory_space<vmem_shared>>)
        tpu.yield
      }) : () -> ()
      %scan3A_82 = arith.constant 0 : i32
      scf.yield %scan3A_82 : i32
    }
    %scan3A_63 = arith.constant 176 : i32
    %barrier3A_64 = arith.constant 0 : index
    tpu.barrier barrier_id(%barrier3A_64)
    %mul3A_65 = arith.constant 160 : i32
    %mul3A_66 = arith.muli %arg1, %mul3A_65 : i32
    %mul3A_67 = arith.constant 160 : i32
    %mul3A_68 = arith.muli %arg1, %mul3A_67 : i32
    "tpu.region"() ({
      %run_scoped3A = tpu.sem_alloc : memref<!tpu.dma_semaphore, #tpu.memory_space<semaphore_mem>>
      %dma_start3A = arith.constant 0 : i32
      %dma_start3A_70 = tpu.memref_slice %arg4[%add3A_44, %mul3A_68, %dma_start3A] : memref<4x2560x128xf32, #tpu.memory_space<hbm>> -> memref<1x160x128xf32, #tpu.memory_space<hbm>>
      %dma_start3A_71 = tpu.memref_squeeze %dma_start3A_70 : memref<1x160x128xf32, #tpu.memory_space<hbm>> -> memref<160x128xf32, #tpu.memory_space<hbm>>
      %dma_start3A_72 = arith.constant 0 : i32
      %dma_start3A_73 = tpu.memref_slice %arg10[%mul3A_66, %dma_start3A_72] : memref<2568x128xf32, #tpu.memory_space<vmem_shared>> -> memref<160x128xf32, #tpu.memory_space<vmem_shared>>
      tpu.enqueue_dma source(%dma_start3A_73 : memref<160x128xf32, #tpu.memory_space<vmem_shared>>) target(%dma_start3A_71 : memref<160x128xf32, #tpu.memory_space<hbm>>) target_semaphore(%run_scoped3A : memref<!tpu.dma_semaphore, #tpu.memory_space<semaphore_mem>>)
      %dma_wait3A = arith.constant 0 : i32
      %dma_wait3A_74 = tpu.memref_slice %arg4[%add3A_44, %mul3A_68, %dma_wait3A] : memref<4x2560x128xf32, #tpu.memory_space<hbm>> -> memref<1x160x128xf32, #tpu.memory_space<hbm>>
      %dma_wait3A_75 = tpu.memref_squeeze %dma_wait3A_74 : memref<1x160x128xf32, #tpu.memory_space<hbm>> -> memref<160x128xf32, #tpu.memory_space<hbm>>
      %dma_wait3A_76 = arith.constant 0 : i32
      %dma_wait3A_77 = tpu.memref_slice %arg10[%mul3A_66, %dma_wait3A_76] : memref<2568x128xf32, #tpu.memory_space<vmem_shared>> -> memref<160x128xf32, #tpu.memory_space<vmem_shared>>
      tpu.wait_dma2 semaphore(%run_scoped3A : memref<!tpu.dma_semaphore, #tpu.memory_space<semaphore_mem>>) src(%dma_wait3A_77 : memref<160x128xf32, #tpu.memory_space<vmem_shared>>) dst(%dma_wait3A_75 : memref<160x128xf32, #tpu.memory_space<hbm>>)
      tpu.yield
    }) : () -> ()
    %barrier3A_69 = arith.constant 0 : index
    tpu.barrier barrier_id(%barrier3A_69)
    return
  }
}

#map = affine_map<(d0, d1) -> (0, 0)>
#map1 = affine_map<(d0, d1) -> (0, 0, 0)>
module attributes {stable_mosaic.version = 14 : i64} {
  func.func @_scatter(%arg0: i32, %arg1: i32, %arg2: memref<10000x128xf32, #tpu.memory_space<hbm>>, %arg3: memref<2816x128xi32, #tpu.memory_space<hbm>>, %arg4: memref<4x2560x128xf32, #tpu.memory_space<hbm>>, %arg5: memref<176x128xi32, #tpu.memory_space<vmem>>, %arg6: memref<176x128xi32, #tpu.memory_space<vmem>>, %arg7: memref<176x128xi32, #tpu.memory_space<vmem>>, %arg8: memref<128x128xf32, #tpu.memory_space<vmem>>, %arg9: memref<160x128xf32, #tpu.memory_space<vmem>>, %arg10: memref<2568x128xf32, #tpu.memory_space<vmem_shared>>, %arg11: memref<!tpu.dma_semaphore, #tpu.memory_space<semaphore_mem>>) attributes {dimension_semantics = [#tpu.dimension_semantics<core_parallel>, #tpu.dimension_semantics<subcore_parallel>], iteration_bounds = array<i64: 2, 16>, scalar_prefetch = 0 : i64, scratch_operands = 7 : i64, tpu.core_type = #tpu.core_type<sc_vector_subcore>, window_params = [{transform_indices = #map}, {transform_indices = #map}, {transform_indices = #map1}]} {
    %scan3A = arith.constant 0 : i32
    %scan3A_0 = arith.constant 0 : i32
    %scan3A_1 = arith.constant 1280 : i32
    %scan3A_2 = arith.addi %scan3A_0, %scan3A_1 : i32
    %scan3A_3 = arith.constant 1 : i32
    %scan3A_4 = scf.for %scan3A_70 = %scan3A_0 to %scan3A_2 step %scan3A_3 iter_args(%scan3A_71 = %scan3A) -> (i32)  : i32 {
      %broadcast_in_dim3A = arith.constant 0.000000e+00 : f32
      %broadcast_in_dim3A_72 = vector.broadcast %broadcast_in_dim3A : f32 to vector<16xf32>
      %jit3A = arith.constant 8 : i32
      %div3A = arith.divsi %scan3A_70, %jit3A : i32
      %sign3A = arith.constant 0 : i32
      %sign3A_73 = arith.cmpi sgt, %scan3A_70, %sign3A : i32
      %sign3A_74 = arith.extui %sign3A_73 : i1 to i32
      %sign3A_75 = arith.constant 0 : i32
      %sign3A_76 = arith.cmpi slt, %scan3A_70, %sign3A_75 : i32
      %sign3A_77 = arith.extui %sign3A_76 : i1 to i32
      %sign3A_78 = arith.subi %sign3A_74, %sign3A_77 : i32
      %sign3A_79 = arith.constant 0 : i32
      %sign3A_80 = arith.cmpi sgt, %jit3A, %sign3A_79 : i32
      %sign3A_81 = arith.extui %sign3A_80 : i1 to i32
      %sign3A_82 = arith.constant 0 : i32
      %sign3A_83 = arith.cmpi slt, %jit3A, %sign3A_82 : i32
      %sign3A_84 = arith.extui %sign3A_83 : i1 to i32
      %sign3A_85 = arith.subi %sign3A_81, %sign3A_84 : i32
      %ne3A = arith.cmpi ne, %sign3A_78, %sign3A_85 : i32
      %rem3A = arith.remsi %scan3A_70, %jit3A : i32
      %ne3A_86 = arith.constant 0 : i32
      %ne3A_87 = arith.cmpi ne, %rem3A, %ne3A_86 : i32
      %and3A = arith.andi %ne3A, %ne3A_87 : i1
      %sub3A = arith.constant 1 : i32
      %sub3A_88 = arith.subi %div3A, %sub3A : i32
      %select_n3A = arith.select %and3A, %sub3A_88, %div3A : i32
      %jit3A_89 = arith.constant 8 : i32
      %eq3A = arith.constant 0 : i32
      %eq3A_90 = arith.cmpi eq, %jit3A_89, %eq3A : i32
      %jit3A_91 = arith.constant 1 : i32
      %select_n3A_92 = arith.select %eq3A_90, %jit3A_91, %jit3A_89 : i32
      %rem3A_93 = arith.remsi %scan3A_70, %select_n3A_92 : i32
      %ne3A_94 = arith.constant 0 : i32
      %ne3A_95 = arith.cmpi ne, %rem3A_93, %ne3A_94 : i32
      %lt3A = arith.constant 0 : i32
      %lt3A_96 = arith.cmpi slt, %rem3A_93, %lt3A : i32
      %lt3A_97 = arith.constant 0 : i32
      %lt3A_98 = arith.cmpi slt, %select_n3A_92, %lt3A_97 : i32
      %ne3A_99 = arith.xori %lt3A_96, %lt3A_98 : i1
      %and3A_100 = arith.andi %ne3A_99, %ne3A_95 : i1
      %add3A_101 = arith.addi %rem3A_93, %select_n3A_92 : i32
      %select_n3A_102 = arith.select %and3A_100, %add3A_101, %rem3A_93 : i32
      %mul3A_103 = arith.constant 16 : i32
      %mul3A_104 = arith.muli %select_n3A_102, %mul3A_103 : i32
      %swap3A = arith.index_cast %select_n3A : i32 to index
      %swap3A_105 = arith.index_cast %mul3A_104 : i32 to index
      %swap3A_106 = tpu.vector_load %arg9[%swap3A, %swap3A_105] {strides = array<i32>} : memref<160x128xf32, #tpu.memory_space<vmem>>, vector<1x16xf32>,
      %swap3A_107 = vector.shape_cast %swap3A_106 : vector<1x16xf32> to vector<16xf32>
      %swap3A_108 = vector.shape_cast %broadcast_in_dim3A_72 : vector<16xf32> to vector<1x16xf32>
      tpu.vector_store %arg9[%swap3A, %swap3A_105], %swap3A_108 {strides = array<i32>} : memref<160x128xf32, #tpu.memory_space<vmem>>, vector<1x16xf32>,
      %scan3A_109 = arith.constant 0 : i32
      scf.yield %scan3A_109 : i32
    }
    %scan3A_5 = arith.constant 1280 : i32
    %mul3A = arith.constant 176 : i32
    %mul3A_6 = arith.muli %arg1, %mul3A : i32
    "tpu.region"() ({
      %run_scoped3A = tpu.sem_alloc : memref<!tpu.dma_semaphore, #tpu.memory_space<semaphore_mem>>
      %dma_start3A = arith.constant 0 : i32
      %dma_start3A_70 = tpu.memref_slice %arg3[%mul3A_6, %dma_start3A] : memref<2816x128xi32, #tpu.memory_space<hbm>> -> memref<176x128xi32, #tpu.memory_space<hbm>>
      %dma_start3A_71 = arith.constant 0 : i32
      %dma_start3A_72 = tpu.memref_slice %arg3[%mul3A_6, %dma_start3A_71] : memref<2816x128xi32, #tpu.memory_space<hbm>> -> memref<176x128xi32, #tpu.memory_space<hbm>>
      tpu.enqueue_dma source(%dma_start3A_72 : memref<176x128xi32, #tpu.memory_space<hbm>>) target(%arg5 : memref<176x128xi32, #tpu.memory_space<vmem>>) target_semaphore(%run_scoped3A : memref<!tpu.dma_semaphore, #tpu.memory_space<semaphore_mem>>)
      %dma_wait3A = arith.constant 0 : i32
      %dma_wait3A_73 = tpu.memref_slice %arg3[%mul3A_6, %dma_wait3A] : memref<2816x128xi32, #tpu.memory_space<hbm>> -> memref<176x128xi32, #tpu.memory_space<hbm>>
      %dma_wait3A_74 = arith.constant 0 : i32
      %dma_wait3A_75 = tpu.memref_slice %arg3[%mul3A_6, %dma_wait3A_74] : memref<2816x128xi32, #tpu.memory_space<hbm>> -> memref<176x128xi32, #tpu.memory_space<hbm>>
      tpu.wait_dma2 semaphore(%run_scoped3A : memref<!tpu.dma_semaphore, #tpu.memory_space<semaphore_mem>>) src(%dma_wait3A_75 : memref<176x128xi32, #tpu.memory_space<hbm>>) dst(%arg5 : memref<176x128xi32, #tpu.memory_space<vmem>>)
      tpu.yield
    }) : () -> ()
    %scan3A_7 = arith.constant 0 : i32
    %scan3A_8 = arith.constant 0 : i32
    %scan3A_9 = arith.constant 1408 : i32
    %scan3A_10 = arith.addi %scan3A_8, %scan3A_9 : i32
    %scan3A_11 = arith.constant 1 : i32
    %scan3A_12 = scf.for %scan3A_70 = %scan3A_8 to %scan3A_10 step %scan3A_11 iter_args(%scan3A_71 = %scan3A_7) -> (i32)  : i32 {
      %jit3A = arith.constant 8 : i32
      %div3A = arith.divsi %scan3A_70, %jit3A : i32
      %sign3A = arith.constant 0 : i32
      %sign3A_72 = arith.cmpi sgt, %scan3A_70, %sign3A : i32
      %sign3A_73 = arith.extui %sign3A_72 : i1 to i32
      %sign3A_74 = arith.constant 0 : i32
      %sign3A_75 = arith.cmpi slt, %scan3A_70, %sign3A_74 : i32
      %sign3A_76 = arith.extui %sign3A_75 : i1 to i32
      %sign3A_77 = arith.subi %sign3A_73, %sign3A_76 : i32
      %sign3A_78 = arith.constant 0 : i32
      %sign3A_79 = arith.cmpi sgt, %jit3A, %sign3A_78 : i32
      %sign3A_80 = arith.extui %sign3A_79 : i1 to i32
      %sign3A_81 = arith.constant 0 : i32
      %sign3A_82 = arith.cmpi slt, %jit3A, %sign3A_81 : i32
      %sign3A_83 = arith.extui %sign3A_82 : i1 to i32
      %sign3A_84 = arith.subi %sign3A_80, %sign3A_83 : i32
      %ne3A = arith.cmpi ne, %sign3A_77, %sign3A_84 : i32
      %rem3A = arith.remsi %scan3A_70, %jit3A : i32
      %ne3A_85 = arith.constant 0 : i32
      %ne3A_86 = arith.cmpi ne, %rem3A, %ne3A_85 : i32
      %and3A = arith.andi %ne3A, %ne3A_86 : i1
      %sub3A = arith.constant 1 : i32
      %sub3A_87 = arith.subi %div3A, %sub3A : i32
      %select_n3A = arith.select %and3A, %sub3A_87, %div3A : i32
      %jit3A_88 = arith.constant 8 : i32
      %eq3A = arith.constant 0 : i32
      %eq3A_89 = arith.cmpi eq, %jit3A_88, %eq3A : i32
      %jit3A_90 = arith.constant 1 : i32
      %select_n3A_91 = arith.select %eq3A_89, %jit3A_90, %jit3A_88 : i32
      %rem3A_92 = arith.remsi %scan3A_70, %select_n3A_91 : i32
      %ne3A_93 = arith.constant 0 : i32
      %ne3A_94 = arith.cmpi ne, %rem3A_92, %ne3A_93 : i32
      %lt3A = arith.constant 0 : i32
      %lt3A_95 = arith.cmpi slt, %rem3A_92, %lt3A : i32
      %lt3A_96 = arith.constant 0 : i32
      %lt3A_97 = arith.cmpi slt, %select_n3A_91, %lt3A_96 : i32
      %ne3A_98 = arith.xori %lt3A_95, %lt3A_97 : i1
      %and3A_99 = arith.andi %ne3A_98, %ne3A_94 : i1
      %add3A_100 = arith.addi %rem3A_92, %select_n3A_91 : i32
      %select_n3A_101 = arith.select %and3A_99, %add3A_100, %rem3A_92 : i32
      %mul3A_102 = arith.constant 16 : i32
      %mul3A_103 = arith.muli %select_n3A_101, %mul3A_102 : i32
      %get3A = arith.index_cast %select_n3A : i32 to index
      %get3A_104 = arith.index_cast %mul3A_103 : i32 to index
      %get3A_105 = tpu.vector_load %arg5[%get3A, %get3A_104] {strides = array<i32>} : memref<176x128xi32, #tpu.memory_space<vmem>>, vector<1x16xi32>,
      %get3A_106 = vector.shape_cast %get3A_105 : vector<1x16xi32> to vector<16xi32>
      %shift_right_logical3A = arith.constant 14 : i32
      %shift_right_logical3A_107 = vector.broadcast %shift_right_logical3A : i32 to vector<16xi32>
      %shift_right_logical3A_108 = arith.shrui %get3A_106, %shift_right_logical3A_107 : vector<16xi32>
      %jit3A_109 = arith.constant 8 : i32
      %div3A_110 = arith.divsi %scan3A_70, %jit3A_109 : i32
      %sign3A_111 = arith.constant 0 : i32
      %sign3A_112 = arith.cmpi sgt, %scan3A_70, %sign3A_111 : i32
      %sign3A_113 = arith.extui %sign3A_112 : i1 to i32
      %sign3A_114 = arith.constant 0 : i32
      %sign3A_115 = arith.cmpi slt, %scan3A_70, %sign3A_114 : i32
      %sign3A_116 = arith.extui %sign3A_115 : i1 to i32
      %sign3A_117 = arith.subi %sign3A_113, %sign3A_116 : i32
      %sign3A_118 = arith.constant 0 : i32
      %sign3A_119 = arith.cmpi sgt, %jit3A_109, %sign3A_118 : i32
      %sign3A_120 = arith.extui %sign3A_119 : i1 to i32
      %sign3A_121 = arith.constant 0 : i32
      %sign3A_122 = arith.cmpi slt, %jit3A_109, %sign3A_121 : i32
      %sign3A_123 = arith.extui %sign3A_122 : i1 to i32
      %sign3A_124 = arith.subi %sign3A_120, %sign3A_123 : i32
      %ne3A_125 = arith.cmpi ne, %sign3A_117, %sign3A_124 : i32
      %rem3A_126 = arith.remsi %scan3A_70, %jit3A_109 : i32
      %ne3A_127 = arith.constant 0 : i32
      %ne3A_128 = arith.cmpi ne, %rem3A_126, %ne3A_127 : i32
      %and3A_129 = arith.andi %ne3A_125, %ne3A_128 : i1
      %sub3A_130 = arith.constant 1 : i32
      %sub3A_131 = arith.subi %div3A_110, %sub3A_130 : i32
      %select_n3A_132 = arith.select %and3A_129, %sub3A_131, %div3A_110 : i32
      %jit3A_133 = arith.constant 8 : i32
      %eq3A_134 = arith.constant 0 : i32
      %eq3A_135 = arith.cmpi eq, %jit3A_133, %eq3A_134 : i32
      %jit3A_136 = arith.constant 1 : i32
      %select_n3A_137 = arith.select %eq3A_135, %jit3A_136, %jit3A_133 : i32
      %rem3A_138 = arith.remsi %scan3A_70, %select_n3A_137 : i32
      %ne3A_139 = arith.constant 0 : i32
      %ne3A_140 = arith.cmpi ne, %rem3A_138, %ne3A_139 : i32
      %lt3A_141 = arith.constant 0 : i32
      %lt3A_142 = arith.cmpi slt, %rem3A_138, %lt3A_141 : i32
      %lt3A_143 = arith.constant 0 : i32
      %lt3A_144 = arith.cmpi slt, %select_n3A_137, %lt3A_143 : i32
      %ne3A_145 = arith.xori %lt3A_142, %lt3A_144 : i1
      %and3A_146 = arith.andi %ne3A_145, %ne3A_140 : i1
      %add3A_147 = arith.addi %rem3A_138, %select_n3A_137 : i32
      %select_n3A_148 = arith.select %and3A_146, %add3A_147, %rem3A_138 : i32
      %mul3A_149 = arith.constant 16 : i32
      %mul3A_150 = arith.muli %select_n3A_148, %mul3A_149 : i32
      %swap3A = arith.index_cast %select_n3A_132 : i32 to index
      %swap3A_151 = arith.index_cast %mul3A_150 : i32 to index
      %swap3A_152 = tpu.vector_load %arg6[%swap3A, %swap3A_151] {strides = array<i32>} : memref<176x128xi32, #tpu.memory_space<vmem>>, vector<1x16xi32>,
      %swap3A_153 = vector.shape_cast %swap3A_152 : vector<1x16xi32> to vector<16xi32>
      %swap3A_154 = vector.shape_cast %shift_right_logical3A_108 : vector<16xi32> to vector<1x16xi32>
      tpu.vector_store %arg6[%swap3A, %swap3A_151], %swap3A_154 {strides = array<i32>} : memref<176x128xi32, #tpu.memory_space<vmem>>, vector<1x16xi32>,
      %scan3A_155 = arith.constant 0 : i32
      scf.yield %scan3A_155 : i32
    }
    %scan3A_13 = arith.constant 1408 : i32
    %mul3A_14 = arith.constant 2 : i32
    %mul3A_15 = arith.muli %arg0, %mul3A_14 : i32
    %add3A = arith.constant 0 : i32
    %add3A_16 = arith.addi %mul3A_15, %add3A : i32
    %mul3A_17 = arith.constant 2560 : i32
    %mul3A_18 = arith.muli %add3A_16, %mul3A_17 : i32
    %scan3A_19 = arith.constant 0 : i32
    %scan3A_20 = arith.constant 0 : i32
    %scan3A_21 = arith.constant 1408 : i32
    %scan3A_22 = arith.addi %scan3A_20, %scan3A_21 : i32
    %scan3A_23 = arith.constant 1 : i32
    %scan3A_24 = scf.for %scan3A_70 = %scan3A_20 to %scan3A_22 step %scan3A_23 iter_args(%scan3A_71 = %scan3A_19) -> (i32)  : i32 {
      %jit3A = arith.constant 8 : i32
      %div3A = arith.divsi %scan3A_70, %jit3A : i32
      %sign3A = arith.constant 0 : i32
      %sign3A_72 = arith.cmpi sgt, %scan3A_70, %sign3A : i32
      %sign3A_73 = arith.extui %sign3A_72 : i1 to i32
      %sign3A_74 = arith.constant 0 : i32
      %sign3A_75 = arith.cmpi slt, %scan3A_70, %sign3A_74 : i32
      %sign3A_76 = arith.extui %sign3A_75 : i1 to i32
      %sign3A_77 = arith.subi %sign3A_73, %sign3A_76 : i32
      %sign3A_78 = arith.constant 0 : i32
      %sign3A_79 = arith.cmpi sgt, %jit3A, %sign3A_78 : i32
      %sign3A_80 = arith.extui %sign3A_79 : i1 to i32
      %sign3A_81 = arith.constant 0 : i32
      %sign3A_82 = arith.cmpi slt, %jit3A, %sign3A_81 : i32
      %sign3A_83 = arith.extui %sign3A_82 : i1 to i32
      %sign3A_84 = arith.subi %sign3A_80, %sign3A_83 : i32
      %ne3A = arith.cmpi ne, %sign3A_77, %sign3A_84 : i32
      %rem3A = arith.remsi %scan3A_70, %jit3A : i32
      %ne3A_85 = arith.constant 0 : i32
      %ne3A_86 = arith.cmpi ne, %rem3A, %ne3A_85 : i32
      %and3A = arith.andi %ne3A, %ne3A_86 : i1
      %sub3A = arith.constant 1 : i32
      %sub3A_87 = arith.subi %div3A, %sub3A : i32
      %select_n3A = arith.select %and3A, %sub3A_87, %div3A : i32
      %jit3A_88 = arith.constant 8 : i32
      %eq3A = arith.constant 0 : i32
      %eq3A_89 = arith.cmpi eq, %jit3A_88, %eq3A : i32
      %jit3A_90 = arith.constant 1 : i32
      %select_n3A_91 = arith.select %eq3A_89, %jit3A_90, %jit3A_88 : i32
      %rem3A_92 = arith.remsi %scan3A_70, %select_n3A_91 : i32
      %ne3A_93 = arith.constant 0 : i32
      %ne3A_94 = arith.cmpi ne, %rem3A_92, %ne3A_93 : i32
      %lt3A = arith.constant 0 : i32
      %lt3A_95 = arith.cmpi slt, %rem3A_92, %lt3A : i32
      %lt3A_96 = arith.constant 0 : i32
      %lt3A_97 = arith.cmpi slt, %select_n3A_91, %lt3A_96 : i32
      %ne3A_98 = arith.xori %lt3A_95, %lt3A_97 : i1
      %and3A_99 = arith.andi %ne3A_98, %ne3A_94 : i1
      %add3A_100 = arith.addi %rem3A_92, %select_n3A_91 : i32
      %select_n3A_101 = arith.select %and3A_99, %add3A_100, %rem3A_92 : i32
      %mul3A_102 = arith.constant 16 : i32
      %mul3A_103 = arith.muli %select_n3A_101, %mul3A_102 : i32
      %get3A = arith.index_cast %select_n3A : i32 to index
      %get3A_104 = arith.index_cast %mul3A_103 : i32 to index
      %get3A_105 = tpu.vector_load %arg5[%get3A, %get3A_104] {strides = array<i32>} : memref<176x128xi32, #tpu.memory_space<vmem>>, vector<1x16xi32>,
      %get3A_106 = vector.shape_cast %get3A_105 : vector<1x16xi32> to vector<16xi32>
      %and3A_107 = arith.constant 16383 : i32
      %and3A_108 = vector.broadcast %and3A_107 : i32 to vector<16xi32>
      %and3A_109 = arith.andi %get3A_106, %and3A_108 : vector<16xi32>
      %sub3A_110 = vector.broadcast %mul3A_18 : i32 to vector<16xi32>
      %sub3A_111 = arith.subi %and3A_109, %sub3A_110 : vector<16xi32>
      %ge3A = arith.constant 0 : i32
      %ge3A_112 = vector.broadcast %ge3A : i32 to vector<16xi32>
      %ge3A_113 = arith.cmpi sge, %sub3A_111, %ge3A_112 : vector<16xi32>
      %lt3A_114 = arith.constant 2560 : i32
      %lt3A_115 = vector.broadcast %lt3A_114 : i32 to vector<16xi32>
      %lt3A_116 = arith.cmpi slt, %sub3A_111, %lt3A_115 : vector<16xi32>
      %and3A_117 = arith.andi %ge3A_113, %lt3A_116 : vector<16xi1>
      %jit3A_118 = arith.constant 2560 : i32
      %broadcast_in_dim3A = vector.broadcast %jit3A_118 : i32 to vector<16xi32>
      %select_n3A_119 = arith.select %and3A_117, %sub3A_111, %broadcast_in_dim3A : vector<16xi1>, vector<16xi32>
      %jit3A_120 = arith.constant 8 : i32
      %div3A_121 = arith.divsi %scan3A_70, %jit3A_120 : i32
      %sign3A_122 = arith.constant 0 : i32
      %sign3A_123 = arith.cmpi sgt, %scan3A_70, %sign3A_122 : i32
      %sign3A_124 = arith.extui %sign3A_123 : i1 to i32
      %sign3A_125 = arith.constant 0 : i32
      %sign3A_126 = arith.cmpi slt, %scan3A_70, %sign3A_125 : i32
      %sign3A_127 = arith.extui %sign3A_126 : i1 to i32
      %sign3A_128 = arith.subi %sign3A_124, %sign3A_127 : i32
      %sign3A_129 = arith.constant 0 : i32
      %sign3A_130 = arith.cmpi sgt, %jit3A_120, %sign3A_129 : i32
      %sign3A_131 = arith.extui %sign3A_130 : i1 to i32
      %sign3A_132 = arith.constant 0 : i32
      %sign3A_133 = arith.cmpi slt, %jit3A_120, %sign3A_132 : i32
      %sign3A_134 = arith.extui %sign3A_133 : i1 to i32
      %sign3A_135 = arith.subi %sign3A_131, %sign3A_134 : i32
      %ne3A_136 = arith.cmpi ne, %sign3A_128, %sign3A_135 : i32
      %rem3A_137 = arith.remsi %scan3A_70, %jit3A_120 : i32
      %ne3A_138 = arith.constant 0 : i32
      %ne3A_139 = arith.cmpi ne, %rem3A_137, %ne3A_138 : i32
      %and3A_140 = arith.andi %ne3A_136, %ne3A_139 : i1
      %sub3A_141 = arith.constant 1 : i32
      %sub3A_142 = arith.subi %div3A_121, %sub3A_141 : i32
      %select_n3A_143 = arith.select %and3A_140, %sub3A_142, %div3A_121 : i32
      %jit3A_144 = arith.constant 8 : i32
      %eq3A_145 = arith.constant 0 : i32
      %eq3A_146 = arith.cmpi eq, %jit3A_144, %eq3A_145 : i32
      %jit3A_147 = arith.constant 1 : i32
      %select_n3A_148 = arith.select %eq3A_146, %jit3A_147, %jit3A_144 : i32
      %rem3A_149 = arith.remsi %scan3A_70, %select_n3A_148 : i32
      %ne3A_150 = arith.constant 0 : i32
      %ne3A_151 = arith.cmpi ne, %rem3A_149, %ne3A_150 : i32
      %lt3A_152 = arith.constant 0 : i32
      %lt3A_153 = arith.cmpi slt, %rem3A_149, %lt3A_152 : i32
      %lt3A_154 = arith.constant 0 : i32
      %lt3A_155 = arith.cmpi slt, %select_n3A_148, %lt3A_154 : i32
      %ne3A_156 = arith.xori %lt3A_153, %lt3A_155 : i1
      %and3A_157 = arith.andi %ne3A_156, %ne3A_151 : i1
      %add3A_158 = arith.addi %rem3A_149, %select_n3A_148 : i32
      %select_n3A_159 = arith.select %and3A_157, %add3A_158, %rem3A_149 : i32
      %mul3A_160 = arith.constant 16 : i32
      %mul3A_161 = arith.muli %select_n3A_159, %mul3A_160 : i32
      %swap3A = arith.index_cast %select_n3A_143 : i32 to index
      %swap3A_162 = arith.index_cast %mul3A_161 : i32 to index
      %swap3A_163 = tpu.vector_load %arg7[%swap3A, %swap3A_162] {strides = array<i32>} : memref<176x128xi32, #tpu.memory_space<vmem>>, vector<1x16xi32>,
      %swap3A_164 = vector.shape_cast %swap3A_163 : vector<1x16xi32> to vector<16xi32>
      %swap3A_165 = vector.shape_cast %select_n3A_119 : vector<16xi32> to vector<1x16xi32>
      tpu.vector_store %arg7[%swap3A, %swap3A_162], %swap3A_165 {strides = array<i32>} : memref<176x128xi32, #tpu.memory_space<vmem>>, vector<1x16xi32>,
      %scan3A_166 = arith.constant 0 : i32
      scf.yield %scan3A_166 : i32
    }
    %scan3A_25 = arith.constant 1408 : i32
    %mul3A_26 = arith.constant 160 : i32
    %mul3A_27 = arith.muli %arg1, %mul3A_26 : i32
    "tpu.region"() ({
      %run_scoped3A = tpu.sem_alloc : memref<!tpu.dma_semaphore, #tpu.memory_space<semaphore_mem>>
      %dma_start3A = arith.constant 0 : i32
      %dma_start3A_70 = tpu.memref_slice %arg10[%mul3A_27, %dma_start3A] : memref<2568x128xf32, #tpu.memory_space<vmem_shared>> -> memref<160x128xf32, #tpu.memory_space<vmem_shared>>
      %dma_start3A_71 = arith.constant 0 : i32
      %dma_start3A_72 = tpu.memref_slice %arg10[%mul3A_27, %dma_start3A_71] : memref<2568x128xf32, #tpu.memory_space<vmem_shared>> -> memref<160x128xf32, #tpu.memory_space<vmem_shared>>
      tpu.enqueue_dma source(%arg9 : memref<160x128xf32, #tpu.memory_space<vmem>>) target(%dma_start3A_72 : memref<160x128xf32, #tpu.memory_space<vmem_shared>>) target_semaphore(%run_scoped3A : memref<!tpu.dma_semaphore, #tpu.memory_space<semaphore_mem>>)
      %dma_wait3A = arith.constant 0 : i32
      %dma_wait3A_73 = tpu.memref_slice %arg10[%mul3A_27, %dma_wait3A] : memref<2568x128xf32, #tpu.memory_space<vmem_shared>> -> memref<160x128xf32, #tpu.memory_space<vmem_shared>>
      %dma_wait3A_74 = arith.constant 0 : i32
      %dma_wait3A_75 = tpu.memref_slice %arg10[%mul3A_27, %dma_wait3A_74] : memref<2568x128xf32, #tpu.memory_space<vmem_shared>> -> memref<160x128xf32, #tpu.memory_space<vmem_shared>>
      tpu.wait_dma2 semaphore(%run_scoped3A : memref<!tpu.dma_semaphore, #tpu.memory_space<semaphore_mem>>) src(%arg9 : memref<160x128xf32, #tpu.memory_space<vmem>>) dst(%dma_wait3A_75 : memref<160x128xf32, #tpu.memory_space<vmem_shared>>)
      tpu.yield
    }) : () -> ()
    %barrier3A = arith.constant 0 : index
    tpu.barrier barrier_id(%barrier3A)
    %scan3A_28 = arith.constant 0 : i32
    %scan3A_29 = arith.constant 0 : i32
    %scan3A_30 = arith.constant 176 : i32
    %scan3A_31 = arith.addi %scan3A_29, %scan3A_30 : i32
    %scan3A_32 = arith.constant 1 : i32
    %scan3A_33 = scf.for %scan3A_70 = %scan3A_29 to %scan3A_31 step %scan3A_32 iter_args(%scan3A_71 = %scan3A_28) -> (i32)  : i32 {
      %dma_start3A = arith.constant 0 : i32
      %dma_start3A_72 = tpu.memref_slice %arg6[%scan3A_70, %dma_start3A] : memref<176x128xi32, #tpu.memory_space<vmem>> -> memref<1x128xi32, #tpu.memory_space<vmem>>
      %dma_start3A_73 = tpu.memref_squeeze %dma_start3A_72 : memref<1x128xi32, #tpu.memory_space<vmem>> -> memref<128xi32, #tpu.memory_space<vmem>>
      %dma_start3A_74 = arith.constant 0 : i32
      %dma_start3A_75 = arith.constant 0 : i32
      %dma_start3A_76 = tpu.memref_slice %arg2[%dma_start3A_74, %dma_start3A_75] : memref<10000x128xf32, #tpu.memory_space<hbm>> -> memref<10000x128xf32, #tpu.memory_space<hbm>>
      tpu.enqueue_indirect_dma source(%dma_start3A_76 : memref<10000x128xf32, #tpu.memory_space<hbm>>) target(%arg8 : memref<128x128xf32, #tpu.memory_space<vmem>>) offsets(%dma_start3A_73 : memref<128xi32, #tpu.memory_space<vmem>>) semaphore(%arg11 : memref<!tpu.dma_semaphore, #tpu.memory_space<semaphore_mem>>)
      %dma_wait3A = arith.constant 0 : i32
      %dma_wait3A_77 = tpu.memref_slice %arg6[%scan3A_70, %dma_wait3A] : memref<176x128xi32, #tpu.memory_space<vmem>> -> memref<1x128xi32, #tpu.memory_space<vmem>>
      %dma_wait3A_78 = tpu.memref_squeeze %dma_wait3A_77 : memref<1x128xi32, #tpu.memory_space<vmem>> -> memref<128xi32, #tpu.memory_space<vmem>>
      %dma_wait3A_79 = arith.constant 0 : i32
      %dma_wait3A_80 = arith.constant 0 : i32
      %dma_wait3A_81 = tpu.memref_slice %arg2[%dma_wait3A_79, %dma_wait3A_80] : memref<10000x128xf32, #tpu.memory_space<hbm>> -> memref<10000x128xf32, #tpu.memory_space<hbm>>
      tpu.wait_indirect_dma semaphore(%arg11 : memref<!tpu.dma_semaphore, #tpu.memory_space<semaphore_mem>>) src(%dma_wait3A_81 : memref<10000x128xf32, #tpu.memory_space<hbm>>) dst(%arg8 : memref<128x128xf32, #tpu.memory_space<vmem>>)
      "tpu.region"() ({
        %run_scoped3A = tpu.sem_alloc : memref<!tpu.dma_semaphore, #tpu.memory_space<semaphore_mem>>
        %dma_start3A_83 = arith.constant 0 : i32
        %dma_start3A_84 = tpu.memref_slice %arg7[%scan3A_70, %dma_start3A_83] : memref<176x128xi32, #tpu.memory_space<vmem>> -> memref<1x128xi32, #tpu.memory_space<vmem>>
        %dma_start3A_85 = tpu.memref_squeeze %dma_start3A_84 : memref<1x128xi32, #tpu.memory_space<vmem>> -> memref<128xi32, #tpu.memory_space<vmem>>
        %dma_start3A_86 = arith.constant 0 : i32
        %dma_start3A_87 = arith.constant 0 : i32
        %dma_start3A_88 = tpu.memref_slice %arg10[%dma_start3A_86, %dma_start3A_87] : memref<2568x128xf32, #tpu.memory_space<vmem_shared>> -> memref<2568x128xf32, #tpu.memory_space<vmem_shared>>
        tpu.enqueue_indirect_dma source(%arg8 : memref<128x128xf32, #tpu.memory_space<vmem>>) target(%dma_start3A_88 : memref<2568x128xf32, #tpu.memory_space<vmem_shared>>) offsets(%dma_start3A_85 : memref<128xi32, #tpu.memory_space<vmem>>) semaphore(%run_scoped3A : memref<!tpu.dma_semaphore, #tpu.memory_space<semaphore_mem>>) {add = true}
        %dma_wait3A_89 = arith.constant 0 : i32
        %dma_wait3A_90 = tpu.memref_slice %arg7[%scan3A_70, %dma_wait3A_89] : memref<176x128xi32, #tpu.memory_space<vmem>> -> memref<1x128xi32, #tpu.memory_space<vmem>>
        %dma_wait3A_91 = tpu.memref_squeeze %dma_wait3A_90 : memref<1x128xi32, #tpu.memory_space<vmem>> -> memref<128xi32, #tpu.memory_space<vmem>>
        %dma_wait3A_92 = arith.constant 0 : i32
        %dma_wait3A_93 = arith.constant 0 : i32
        %dma_wait3A_94 = tpu.memref_slice %arg10[%dma_wait3A_92, %dma_wait3A_93] : memref<2568x128xf32, #tpu.memory_space<vmem_shared>> -> memref<2568x128xf32, #tpu.memory_space<vmem_shared>>
        tpu.wait_indirect_dma semaphore(%run_scoped3A : memref<!tpu.dma_semaphore, #tpu.memory_space<semaphore_mem>>) src(%arg8 : memref<128x128xf32, #tpu.memory_space<vmem>>) dst(%dma_wait3A_94 : memref<2568x128xf32, #tpu.memory_space<vmem_shared>>)
        tpu.yield
      }) : () -> ()
      %scan3A_82 = arith.constant 0 : i32
      scf.yield %scan3A_82 : i32
    }
    %scan3A_34 = arith.constant 176 : i32
    %barrier3A_35 = arith.constant 0 : index
    tpu.barrier barrier_id(%barrier3A_35)
    %mul3A_36 = arith.constant 160 : i32
    %mul3A_37 = arith.muli %arg1, %mul3A_36 : i32
    %mul3A_38 = arith.constant 160 : i32
    %mul3A_39 = arith.muli %arg1, %mul3A_38 : i32
    "tpu.region"() ({
      %run_scoped3A = tpu.sem_alloc : memref<!tpu.dma_semaphore, #tpu.memory_space<semaphore_mem>>
      %dma_start3A = arith.constant 0 : i32
      %dma_start3A_70 = tpu.memref_slice %arg4[%add3A_16, %mul3A_39, %dma_start3A] : memref<4x2560x128xf32, #tpu.memory_space<hbm>> -> memref<1x160x128xf32, #tpu.memory_space<hbm>>
      %dma_start3A_71 = tpu.memref_squeeze %dma_start3A_70 : memref<1x160x128xf32, #tpu.memory_space<hbm>> -> memref<160x128xf32, #tpu.memory_space<hbm>>
      %dma_start3A_72 = arith.constant 0 : i32
      %dma_start3A_73 = tpu.memref_slice %arg10[%mul3A_37, %dma_start3A_72] : memref<2568x128xf32, #tpu.memory_space<vmem_shared>> -> memref<160x128xf32, #tpu.memory_space<vmem_shared>>
      tpu.enqueue_dma source(%dma_start3A_73 : memref<160x128xf32, #tpu.memory_space<vmem_shared>>) target(%dma_start3A_71 : memref<160x128xf32, #tpu.memory_space<hbm>>) target_semaphore(%run_scoped3A : memref<!tpu.dma_semaphore, #tpu.memory_space<semaphore_mem>>)
      %dma_wait3A = arith.constant 0 : i32
      %dma_wait3A_74 = tpu.memref_slice %arg4[%add3A_16, %mul3A_39, %dma_wait3A] : memref<4x2560x128xf32, #tpu.memory_space<hbm>> -> memref<1x160x128xf32, #tpu.memory_space<hbm>>
      %dma_wait3A_75 = tpu.memref_squeeze %dma_wait3A_74 : memref<1x160x128xf32, #tpu.memory_space<hbm>> -> memref<160x128xf32, #tpu.memory_space<hbm>>
      %dma_wait3A_76 = arith.constant 0 : i32
      %dma_wait3A_77 = tpu.memref_slice %arg10[%mul3A_37, %dma_wait3A_76] : memref<2568x128xf32, #tpu.memory_space<vmem_shared>> -> memref<160x128xf32, #tpu.memory_space<vmem_shared>>
      tpu.wait_dma2 semaphore(%run_scoped3A : memref<!tpu.dma_semaphore, #tpu.memory_space<semaphore_mem>>) src(%dma_wait3A_77 : memref<160x128xf32, #tpu.memory_space<vmem_shared>>) dst(%dma_wait3A_75 : memref<160x128xf32, #tpu.memory_space<hbm>>)
      tpu.yield
    }) : () -> ()
    %barrier3A_40 = arith.constant 0 : index
    tpu.barrier barrier_id(%barrier3A_40)
    %mul3A_41 = arith.constant 2 : i32
    %mul3A_42 = arith.muli %arg0, %mul3A_41 : i32
    %add3A_43 = arith.constant 1 : i32
    %add3A_44 = arith.addi %mul3A_42, %add3A_43 : i32
    %mul3A_45 = arith.constant 2560 : i32
    %mul3A_46 = arith.muli %add3A_44, %mul3A_45 : i32
    %scan3A_47 = arith.constant 0 : i32
    %scan3A_48 = arith.constant 0 : i32
    %scan3A_49 = arith.constant 1408 : i32
    %scan3A_50 = arith.addi %scan3A_48, %scan3A_49 : i32
    %scan3A_51 = arith.constant 1 : i32
    %scan3A_52 = scf.for %scan3A_70 = %scan3A_48 to %scan3A_50 step %scan3A_51 iter_args(%scan3A_71 = %scan3A_47) -> (i32)  : i32 {
      %jit3A = arith.constant 8 : i32
      %div3A = arith.divsi %scan3A_70, %jit3A : i32
      %sign3A = arith.constant 0 : i32
      %sign3A_72 = arith.cmpi sgt, %scan3A_70, %sign3A : i32
      %sign3A_73 = arith.extui %sign3A_72 : i1 to i32
      %sign3A_74 = arith.constant 0 : i32
      %sign3A_75 = arith.cmpi slt, %scan3A_70, %sign3A_74 : i32
      %sign3A_76 = arith.extui %sign3A_75 : i1 to i32
      %sign3A_77 = arith.subi %sign3A_73, %sign3A_76 : i32
      %sign3A_78 = arith.constant 0 : i32
      %sign3A_79 = arith.cmpi sgt, %jit3A, %sign3A_78 : i32
      %sign3A_80 = arith.extui %sign3A_79 : i1 to i32
      %sign3A_81 = arith.constant 0 : i32
      %sign3A_82 = arith.cmpi slt, %jit3A, %sign3A_81 : i32
      %sign3A_83 = arith.extui %sign3A_82 : i1 to i32
      %sign3A_84 = arith.subi %sign3A_80, %sign3A_83 : i32
      %ne3A = arith.cmpi ne, %sign3A_77, %sign3A_84 : i32
      %rem3A = arith.remsi %scan3A_70, %jit3A : i32
      %ne3A_85 = arith.constant 0 : i32
      %ne3A_86 = arith.cmpi ne, %rem3A, %ne3A_85 : i32
      %and3A = arith.andi %ne3A, %ne3A_86 : i1
      %sub3A = arith.constant 1 : i32
      %sub3A_87 = arith.subi %div3A, %sub3A : i32
      %select_n3A = arith.select %and3A, %sub3A_87, %div3A : i32
      %jit3A_88 = arith.constant 8 : i32
      %eq3A = arith.constant 0 : i32
      %eq3A_89 = arith.cmpi eq, %jit3A_88, %eq3A : i32
      %jit3A_90 = arith.constant 1 : i32
      %select_n3A_91 = arith.select %eq3A_89, %jit3A_90, %jit3A_88 : i32
      %rem3A_92 = arith.remsi %scan3A_70, %select_n3A_91 : i32
      %ne3A_93 = arith.constant 0 : i32
      %ne3A_94 = arith.cmpi ne, %rem3A_92, %ne3A_93 : i32
      %lt3A = arith.constant 0 : i32
      %lt3A_95 = arith.cmpi slt, %rem3A_92, %lt3A : i32
      %lt3A_96 = arith.constant 0 : i32
      %lt3A_97 = arith.cmpi slt, %select_n3A_91, %lt3A_96 : i32
      %ne3A_98 = arith.xori %lt3A_95, %lt3A_97 : i1
      %and3A_99 = arith.andi %ne3A_98, %ne3A_94 : i1
      %add3A_100 = arith.addi %rem3A_92, %select_n3A_91 : i32
      %select_n3A_101 = arith.select %and3A_99, %add3A_100, %rem3A_92 : i32
      %mul3A_102 = arith.constant 16 : i32
      %mul3A_103 = arith.muli %select_n3A_101, %mul3A_102 : i32
      %get3A = arith.index_cast %select_n3A : i32 to index
      %get3A_104 = arith.index_cast %mul3A_103 : i32 to index
      %get3A_105 = tpu.vector_load %arg5[%get3A, %get3A_104] {strides = array<i32>} : memref<176x128xi32, #tpu.memory_space<vmem>>, vector<1x16xi32>,
      %get3A_106 = vector.shape_cast %get3A_105 : vector<1x16xi32> to vector<16xi32>
      %and3A_107 = arith.constant 16383 : i32
      %and3A_108 = vector.broadcast %and3A_107 : i32 to vector<16xi32>
      %and3A_109 = arith.andi %get3A_106, %and3A_108 : vector<16xi32>
      %sub3A_110 = vector.broadcast %mul3A_46 : i32 to vector<16xi32>
      %sub3A_111 = arith.subi %and3A_109, %sub3A_110 : vector<16xi32>
      %ge3A = arith.constant 0 : i32
      %ge3A_112 = vector.broadcast %ge3A : i32 to vector<16xi32>
      %ge3A_113 = arith.cmpi sge, %sub3A_111, %ge3A_112 : vector<16xi32>
      %lt3A_114 = arith.constant 2560 : i32
      %lt3A_115 = vector.broadcast %lt3A_114 : i32 to vector<16xi32>
      %lt3A_116 = arith.cmpi slt, %sub3A_111, %lt3A_115 : vector<16xi32>
      %and3A_117 = arith.andi %ge3A_113, %lt3A_116 : vector<16xi1>
      %jit3A_118 = arith.constant 2560 : i32
      %broadcast_in_dim3A = vector.broadcast %jit3A_118 : i32 to vector<16xi32>
      %select_n3A_119 = arith.select %and3A_117, %sub3A_111, %broadcast_in_dim3A : vector<16xi1>, vector<16xi32>
      %jit3A_120 = arith.constant 8 : i32
      %div3A_121 = arith.divsi %scan3A_70, %jit3A_120 : i32
      %sign3A_122 = arith.constant 0 : i32
      %sign3A_123 = arith.cmpi sgt, %scan3A_70, %sign3A_122 : i32
      %sign3A_124 = arith.extui %sign3A_123 : i1 to i32
      %sign3A_125 = arith.constant 0 : i32
      %sign3A_126 = arith.cmpi slt, %scan3A_70, %sign3A_125 : i32
      %sign3A_127 = arith.extui %sign3A_126 : i1 to i32
      %sign3A_128 = arith.subi %sign3A_124, %sign3A_127 : i32
      %sign3A_129 = arith.constant 0 : i32
      %sign3A_130 = arith.cmpi sgt, %jit3A_120, %sign3A_129 : i32
      %sign3A_131 = arith.extui %sign3A_130 : i1 to i32
      %sign3A_132 = arith.constant 0 : i32
      %sign3A_133 = arith.cmpi slt, %jit3A_120, %sign3A_132 : i32
      %sign3A_134 = arith.extui %sign3A_133 : i1 to i32
      %sign3A_135 = arith.subi %sign3A_131, %sign3A_134 : i32
      %ne3A_136 = arith.cmpi ne, %sign3A_128, %sign3A_135 : i32
      %rem3A_137 = arith.remsi %scan3A_70, %jit3A_120 : i32
      %ne3A_138 = arith.constant 0 : i32
      %ne3A_139 = arith.cmpi ne, %rem3A_137, %ne3A_138 : i32
      %and3A_140 = arith.andi %ne3A_136, %ne3A_139 : i1
      %sub3A_141 = arith.constant 1 : i32
      %sub3A_142 = arith.subi %div3A_121, %sub3A_141 : i32
      %select_n3A_143 = arith.select %and3A_140, %sub3A_142, %div3A_121 : i32
      %jit3A_144 = arith.constant 8 : i32
      %eq3A_145 = arith.constant 0 : i32
      %eq3A_146 = arith.cmpi eq, %jit3A_144, %eq3A_145 : i32
      %jit3A_147 = arith.constant 1 : i32
      %select_n3A_148 = arith.select %eq3A_146, %jit3A_147, %jit3A_144 : i32
      %rem3A_149 = arith.remsi %scan3A_70, %select_n3A_148 : i32
      %ne3A_150 = arith.constant 0 : i32
      %ne3A_151 = arith.cmpi ne, %rem3A_149, %ne3A_150 : i32
      %lt3A_152 = arith.constant 0 : i32
      %lt3A_153 = arith.cmpi slt, %rem3A_149, %lt3A_152 : i32
      %lt3A_154 = arith.constant 0 : i32
      %lt3A_155 = arith.cmpi slt, %select_n3A_148, %lt3A_154 : i32
      %ne3A_156 = arith.xori %lt3A_153, %lt3A_155 : i1
      %and3A_157 = arith.andi %ne3A_156, %ne3A_151 : i1
      %add3A_158 = arith.addi %rem3A_149, %select_n3A_148 : i32
      %select_n3A_159 = arith.select %and3A_157, %add3A_158, %rem3A_149 : i32
      %mul3A_160 = arith.constant 16 : i32
      %mul3A_161 = arith.muli %select_n3A_159, %mul3A_160 : i32
      %swap3A = arith.index_cast %select_n3A_143 : i32 to index
      %swap3A_162 = arith.index_cast %mul3A_161 : i32 to index
      %swap3A_163 = tpu.vector_load %arg7[%swap3A, %swap3A_162] {strides = array<i32>} : memref<176x128xi32, #tpu.memory_space<vmem>>, vector<1x16xi32>,
      %swap3A_164 = vector.shape_cast %swap3A_163 : vector<1x16xi32> to vector<16xi32>
      %swap3A_165 = vector.shape_cast %select_n3A_119 : vector<16xi32> to vector<1x16xi32>
      tpu.vector_store %arg7[%swap3A, %swap3A_162], %swap3A_165 {strides = array<i32>} : memref<176x128xi32, #tpu.memory_space<vmem>>, vector<1x16xi32>,
      %scan3A_166 = arith.constant 0 : i32
      scf.yield %scan3A_166 : i32
    }
    %scan3A_53 = arith.constant 1408 : i32
    %mul3A_54 = arith.constant 160 : i32
    %mul3A_55 = arith.muli %arg1, %mul3A_54 : i32
    "tpu.region"() ({
      %run_scoped3A = tpu.sem_alloc : memref<!tpu.dma_semaphore, #tpu.memory_space<semaphore_mem>>
      %dma_start3A = arith.constant 0 : i32
      %dma_start3A_70 = tpu.memref_slice %arg10[%mul3A_55, %dma_start3A] : memref<2568x128xf32, #tpu.memory_space<vmem_shared>> -> memref<160x128xf32, #tpu.memory_space<vmem_shared>>
      %dma_start3A_71 = arith.constant 0 : i32
      %dma_start3A_72 = tpu.memref_slice %arg10[%mul3A_55, %dma_start3A_71] : memref<2568x128xf32, #tpu.memory_space<vmem_shared>> -> memref<160x128xf32, #tpu.memory_space<vmem_shared>>
      tpu.enqueue_dma source(%arg9 : memref<160x128xf32, #tpu.memory_space<vmem>>) target(%dma_start3A_72 : memref<160x128xf32, #tpu.memory_space<vmem_shared>>) target_semaphore(%run_scoped3A : memref<!tpu.dma_semaphore, #tpu.memory_space<semaphore_mem>>)
      %dma_wait3A = arith.constant 0 : i32
      %dma_wait3A_73 = tpu.memref_slice %arg10[%mul3A_55, %dma_wait3A] : memref<2568x128xf32, #tpu.memory_space<vmem_shared>> -> memref<160x128xf32, #tpu.memory_space<vmem_shared>>
      %dma_wait3A_74 = arith.constant 0 : i32
      %dma_wait3A_75 = tpu.memref_slice %arg10[%mul3A_55, %dma_wait3A_74] : memref<2568x128xf32, #tpu.memory_space<vmem_shared>> -> memref<160x128xf32, #tpu.memory_space<vmem_shared>>
      tpu.wait_dma2 semaphore(%run_scoped3A : memref<!tpu.dma_semaphore, #tpu.memory_space<semaphore_mem>>) src(%arg9 : memref<160x128xf32, #tpu.memory_space<vmem>>) dst(%dma_wait3A_75 : memref<160x128xf32, #tpu.memory_space<vmem_shared>>)
      tpu.yield
    }) : () -> ()
    %barrier3A_56 = arith.constant 0 : index
    tpu.barrier barrier_id(%barrier3A_56)
    %scan3A_57 = arith.constant 0 : i32
    %scan3A_58 = arith.constant 0 : i32
    %scan3A_59 = arith.constant 176 : i32
    %scan3A_60 = arith.addi %scan3A_58, %scan3A_59 : i32
    %scan3A_61 = arith.constant 1 : i32
    %scan3A_62 = scf.for %scan3A_70 = %scan3A_58 to %scan3A_60 step %scan3A_61 iter_args(%scan3A_71 = %scan3A_57) -> (i32)  : i32 {
      %dma_start3A = arith.constant 0 : i32
      %dma_start3A_72 = tpu.memref_slice %arg6[%scan3A_70, %dma_start3A] : memref<176x128xi32, #tpu.memory_space<vmem>> -> memref<1x128xi32, #tpu.memory_space<vmem>>
      %dma_start3A_73 = tpu.memref_squeeze %dma_start3A_72 : memref<1x128xi32, #tpu.memory_space<vmem>> -> memref<128xi32, #tpu.memory_space<vmem>>
      %dma_start3A_74 = arith.constant 0 : i32
      %dma_start3A_75 = arith.constant 0 : i32
      %dma_start3A_76 = tpu.memref_slice %arg2[%dma_start3A_74, %dma_start3A_75] : memref<10000x128xf32, #tpu.memory_space<hbm>> -> memref<10000x128xf32, #tpu.memory_space<hbm>>
      tpu.enqueue_indirect_dma source(%dma_start3A_76 : memref<10000x128xf32, #tpu.memory_space<hbm>>) target(%arg8 : memref<128x128xf32, #tpu.memory_space<vmem>>) offsets(%dma_start3A_73 : memref<128xi32, #tpu.memory_space<vmem>>) semaphore(%arg11 : memref<!tpu.dma_semaphore, #tpu.memory_space<semaphore_mem>>)
      %dma_wait3A = arith.constant 0 : i32
      %dma_wait3A_77 = tpu.memref_slice %arg6[%scan3A_70, %dma_wait3A] : memref<176x128xi32, #tpu.memory_space<vmem>> -> memref<1x128xi32, #tpu.memory_space<vmem>>
      %dma_wait3A_78 = tpu.memref_squeeze %dma_wait3A_77 : memref<1x128xi32, #tpu.memory_space<vmem>> -> memref<128xi32, #tpu.memory_space<vmem>>
      %dma_wait3A_79 = arith.constant 0 : i32
      %dma_wait3A_80 = arith.constant 0 : i32
      %dma_wait3A_81 = tpu.memref_slice %arg2[%dma_wait3A_79, %dma_wait3A_80] : memref<10000x128xf32, #tpu.memory_space<hbm>> -> memref<10000x128xf32, #tpu.memory_space<hbm>>
      tpu.wait_indirect_dma semaphore(%arg11 : memref<!tpu.dma_semaphore, #tpu.memory_space<semaphore_mem>>) src(%dma_wait3A_81 : memref<10000x128xf32, #tpu.memory_space<hbm>>) dst(%arg8 : memref<128x128xf32, #tpu.memory_space<vmem>>)
      "tpu.region"() ({
        %run_scoped3A = tpu.sem_alloc : memref<!tpu.dma_semaphore, #tpu.memory_space<semaphore_mem>>
        %dma_start3A_83 = arith.constant 0 : i32
        %dma_start3A_84 = tpu.memref_slice %arg7[%scan3A_70, %dma_start3A_83] : memref<176x128xi32, #tpu.memory_space<vmem>> -> memref<1x128xi32, #tpu.memory_space<vmem>>
        %dma_start3A_85 = tpu.memref_squeeze %dma_start3A_84 : memref<1x128xi32, #tpu.memory_space<vmem>> -> memref<128xi32, #tpu.memory_space<vmem>>
        %dma_start3A_86 = arith.constant 0 : i32
        %dma_start3A_87 = arith.constant 0 : i32
        %dma_start3A_88 = tpu.memref_slice %arg10[%dma_start3A_86, %dma_start3A_87] : memref<2568x128xf32, #tpu.memory_space<vmem_shared>> -> memref<2568x128xf32, #tpu.memory_space<vmem_shared>>
        tpu.enqueue_indirect_dma source(%arg8 : memref<128x128xf32, #tpu.memory_space<vmem>>) target(%dma_start3A_88 : memref<2568x128xf32, #tpu.memory_space<vmem_shared>>) offsets(%dma_start3A_85 : memref<128xi32, #tpu.memory_space<vmem>>) semaphore(%run_scoped3A : memref<!tpu.dma_semaphore, #tpu.memory_space<semaphore_mem>>) {add = true}
        %dma_wait3A_89 = arith.constant 0 : i32
        %dma_wait3A_90 = tpu.memref_slice %arg7[%scan3A_70, %dma_wait3A_89] : memref<176x128xi32, #tpu.memory_space<vmem>> -> memref<1x128xi32, #tpu.memory_space<vmem>>
        %dma_wait3A_91 = tpu.memref_squeeze %dma_wait3A_90 : memref<1x128xi32, #tpu.memory_space<vmem>> -> memref<128xi32, #tpu.memory_space<vmem>>
        %dma_wait3A_92 = arith.constant 0 : i32
        %dma_wait3A_93 = arith.constant 0 : i32
        %dma_wait3A_94 = tpu.memref_slice %arg10[%dma_wait3A_92, %dma_wait3A_93] : memref<2568x128xf32, #tpu.memory_space<vmem_shared>> -> memref<2568x128xf32, #tpu.memory_space<vmem_shared>>
        tpu.wait_indirect_dma semaphore(%run_scoped3A : memref<!tpu.dma_semaphore, #tpu.memory_space<semaphore_mem>>) src(%arg8 : memref<128x128xf32, #tpu.memory_space<vmem>>) dst(%dma_wait3A_94 : memref<2568x128xf32, #tpu.memory_space<vmem_shared>>)
        tpu.yield
      }) : () -> ()
      %scan3A_82 = arith.constant 0 : i32
      scf.yield %scan3A_82 : i32
    }
    %scan3A_63 = arith.constant 176 : i32
    %barrier3A_64 = arith.constant 0 : index
    tpu.barrier barrier_id(%barrier3A_64)
    %mul3A_65 = arith.constant 160 : i32
    %mul3A_66 = arith.muli %arg1, %mul3A_65 : i32
    %mul3A_67 = arith.constant 160 : i32
    %mul3A_68 = arith.muli %arg1, %mul3A_67 : i32
    "tpu.region"() ({
      %run_scoped3A = tpu.sem_alloc : memref<!tpu.dma_semaphore, #tpu.memory_space<semaphore_mem>>
      %dma_start3A = arith.constant 0 : i32
      %dma_start3A_70 = tpu.memref_slice %arg4[%add3A_44, %mul3A_68, %dma_start3A] : memref<4x2560x128xf32, #tpu.memory_space<hbm>> -> memref<1x160x128xf32, #tpu.memory_space<hbm>>
      %dma_start3A_71 = tpu.memref_squeeze %dma_start3A_70 : memref<1x160x128xf32, #tpu.memory_space<hbm>> -> memref<160x128xf32, #tpu.memory_space<hbm>>
      %dma_start3A_72 = arith.constant 0 : i32
      %dma_start3A_73 = tpu.memref_slice %arg10[%mul3A_66, %dma_start3A_72] : memref<2568x128xf32, #tpu.memory_space<vmem_shared>> -> memref<160x128xf32, #tpu.memory_space<vmem_shared>>
      tpu.enqueue_dma source(%dma_start3A_73 : memref<160x128xf32, #tpu.memory_space<vmem_shared>>) target(%dma_start3A_71 : memref<160x128xf32, #tpu.memory_space<hbm>>) target_semaphore(%run_scoped3A : memref<!tpu.dma_semaphore, #tpu.memory_space<semaphore_mem>>)
      %dma_wait3A = arith.constant 0 : i32
      %dma_wait3A_74 = tpu.memref_slice %arg4[%add3A_44, %mul3A_68, %dma_wait3A] : memref<4x2560x128xf32, #tpu.memory_space<hbm>> -> memref<1x160x128xf32, #tpu.memory_space<hbm>>
      %dma_wait3A_75 = tpu.memref_squeeze %dma_wait3A_74 : memref<1x160x128xf32, #tpu.memory_space<hbm>> -> memref<160x128xf32, #tpu.memory_space<hbm>>
      %dma_wait3A_76 = arith.constant 0 : i32
      %dma_wait3A_77 = tpu.memref_slice %arg10[%mul3A_66, %dma_wait3A_76] : memref<2568x128xf32, #tpu.memory_space<vmem_shared>> -> memref<160x128xf32, #tpu.memory_space<vmem_shared>>
      tpu.wait_dma2 semaphore(%run_scoped3A : memref<!tpu.dma_semaphore, #tpu.memory_space<semaphore_mem>>) src(%dma_wait3A_77 : memref<160x128xf32, #tpu.memory_space<vmem_shared>>) dst(%dma_wait3A_75 : memref<160x128xf32, #tpu.memory_space<hbm>>)
      tpu.yield
    }) : () -> ()
    %barrier3A_69 = arith.constant 0 : index
    tpu.barrier barrier_id(%barrier3A_69)
    return
  }
}

module attributes {stable_mosaic.version = 14 : i64} {
  func.func @_first_body(%arg0: memref<10000x128xf32, #tpu.memory_space<vmem>>, %arg1: memref<128x128xf32, #tpu.memory_space<vmem>>, %arg2: memref<10000x128xf32, #tpu.memory_space<vmem>>) attributes {dimension_semantics = [], scalar_prefetch = 0 : i64, scratch_operands = 0 : i64, tpu.core_type = #tpu.core_type<tc>} {
    %get3A = arith.constant 0 : index
    %get3A_0 = arith.constant 0 : index
    %get3A_1 = vector.load %arg0[%get3A, %get3A_0] : memref<10000x128xf32, #tpu.memory_space<vmem>>, vector<10000x128xf32>
    %jit3A = arith.constant -1.000000e+01 : f32
    %jit3A_2 = arith.constant 1.000000e+01 : f32
    %max3A = vector.broadcast %jit3A : f32 to vector<10000x128xf32>
    %max3A_3 = arith.maximumf %max3A, %get3A_1 : vector<10000x128xf32>
    %min3A = vector.broadcast %jit3A_2 : f32 to vector<10000x128xf32>
    %min3A_4 = arith.minimumf %min3A, %max3A_3 : vector<10000x128xf32>
    %get3A_5 = arith.constant 0 : index
    %get3A_6 = arith.constant 0 : index
    %get3A_7 = vector.load %arg1[%get3A_5, %get3A_6] : memref<128x128xf32, #tpu.memory_space<vmem>>, vector<128x128xf32>
    %dot_general3A = arith.constant dense<0.000000e+00> : vector<10000x128xf32>
    %dot_general3A_8 = tpu.matmul %min3A_4, %get3A_7, %dot_general3A {dimension_numbers = #tpu.dot_dimension_numbers<[1], [0], [0], [1], [0, 0, 1, 1], [], []>, transpose_lhs_hint = false} : vector<10000x128xf32>, vector<128x128xf32>, vector<10000x128xf32> -> vector<10000x128xf32>
    %swap3A = arith.constant 0 : index
    %swap3A_9 = arith.constant 0 : index
    %swap3A_10 = vector.load %arg2[%swap3A, %swap3A_9] : memref<10000x128xf32, #tpu.memory_space<vmem>>, vector<10000x128xf32>
    tpu.vector_store %arg2[%swap3A, %swap3A_9], %dot_general3A_8 {strides = array<i32>} : memref<10000x128xf32, #tpu.memory_space<vmem>>, vector<10000x128xf32>,
    return
  }
}

module attributes {stable_mosaic.version = 14 : i64} {
  func.func @_pack_body(%arg0: memref<2500x128xi32, #tpu.memory_space<vmem>>, %arg1: memref<2500x128xi32, #tpu.memory_space<vmem>>, %arg2: memref<2816x128xi32, #tpu.memory_space<vmem>>) attributes {dimension_semantics = [], scalar_prefetch = 0 : i64, scratch_operands = 0 : i64, tpu.core_type = #tpu.core_type<tc>} {
    %get3A = arith.constant 0 : index
    %get3A_0 = arith.constant 0 : index
    %get3A_1 = vector.load %arg0[%get3A, %get3A_0] : memref<2500x128xi32, #tpu.memory_space<vmem>>, vector<2500x128xi32>
    %shift_left3A = arith.constant 14 : i32
    %shift_left3A_2 = vector.broadcast %shift_left3A : i32 to vector<2500x128xi32>
    %shift_left3A_3 = arith.shli %get3A_1, %shift_left3A_2 : vector<2500x128xi32>
    %get3A_4 = arith.constant 0 : index
    %get3A_5 = arith.constant 0 : index
    %get3A_6 = vector.load %arg1[%get3A_4, %get3A_5] : memref<2500x128xi32, #tpu.memory_space<vmem>>, vector<2500x128xi32>
    %or3A = arith.ori %shift_left3A_3, %get3A_6 : vector<2500x128xi32>
    %iota3A = tpu.iota {dimensions = array<i32: 0>} : vector<316x128xi32>
    %mul3A = arith.constant 128 : i32
    %mul3A_7 = vector.broadcast %mul3A : i32 to vector<316x128xi32>
    %mul3A_8 = arith.muli %iota3A, %mul3A_7 : vector<316x128xi32>
    %iota3A_9 = tpu.iota {dimensions = array<i32: 1>} : vector<316x128xi32>
    %add3A = arith.addi %mul3A_8, %iota3A_9 : vector<316x128xi32>
    %lt3A = arith.constant 10000 : i32
    %lt3A_10 = vector.broadcast %lt3A : i32 to vector<316x128xi32>
    %lt3A_11 = arith.cmpi slt, %add3A, %lt3A_10 : vector<316x128xi32>
    %mul3A_12 = arith.constant 16385 : i32
    %mul3A_13 = vector.broadcast %mul3A_12 : i32 to vector<316x128xi32>
    %mul3A_14 = arith.muli %add3A, %mul3A_13 : vector<316x128xi32>
    %jit3A = arith.constant 10000 : i32
    %broadcast_in_dim3A = vector.broadcast %jit3A : i32 to vector<316x128xi32>
    %select_n3A = arith.select %lt3A_11, %mul3A_14, %broadcast_in_dim3A : vector<316x128xi1>, vector<316x128xi32>
    %concatenate3A = tpu.concatenate %or3A, %select_n3A in 0 : vector<2500x128xi32>, vector<316x128xi32> -> vector<2816x128xi32>
    %swap3A = arith.constant 0 : index
    %swap3A_15 = arith.constant 0 : index
    %swap3A_16 = vector.load %arg2[%swap3A, %swap3A_15] : memref<2816x128xi32, #tpu.memory_space<vmem>>, vector<2816x128xi32>
    tpu.vector_store %arg2[%swap3A, %swap3A_15], %concatenate3A {strides = array<i32>} : memref<2816x128xi32, #tpu.memory_space<vmem>>, vector<2816x128xi32>,
    return
  }
}

module attributes {stable_mosaic.version = 14 : i64} {
  func.func @_degcol_body(%arg0: memref<4x2560x128xf32, #tpu.memory_space<vmem>>, %arg1: memref<10000x1xf32, #tpu.memory_space<vmem>>) attributes {dimension_semantics = [], scalar_prefetch = 0 : i64, scratch_operands = 0 : i64, tpu.core_type = #tpu.core_type<tc>} {
    %get3A = arith.constant 0 : index
    %get3A_0 = arith.constant 0 : index
    %get3A_1 = arith.constant 0 : index
    %get3A_2 = vector.load %arg0[%get3A, %get3A_0, %get3A_1] : memref<4x2560x128xf32, #tpu.memory_space<vmem>>, vector<4x2560x128xf32>
    %reshape3A = vector.shape_cast %get3A_2 : vector<4x2560x128xf32> to vector<10240x128xf32>
    %slice3A = vector.extract_strided_slice %reshape3A {offsets = [0, 0], sizes = [10000, 128], strides = [1, 1]} : vector<10240x128xf32> to vector<10000x128xf32>
    %slice3A_3 = vector.extract_strided_slice %slice3A {offsets = [0, 0], sizes = [10000, 1], strides = [1, 1]} : vector<10000x128xf32> to vector<10000x1xf32>
    %swap3A = arith.constant 0 : index
    %swap3A_4 = arith.constant 0 : index
    %swap3A_5 = vector.load %arg1[%swap3A, %swap3A_4] : memref<10000x1xf32, #tpu.memory_space<vmem>>, vector<10000x1xf32>
    tpu.vector_store %arg1[%swap3A, %swap3A_4], %slice3A_3 {strides = array<i32>} : memref<10000x1xf32, #tpu.memory_space<vmem>>, vector<10000x1xf32>,
    return
  }
}

module attributes {stable_mosaic.version = 14 : i64} {
  func.func @_scale_body(%arg0: memref<10000x128xf32, #tpu.memory_space<vmem>>, %arg1: memref<10000x1xf32, #tpu.memory_space<vmem>>, %arg2: memref<10000x128xf32, #tpu.memory_space<vmem>>) attributes {dimension_semantics = [], scalar_prefetch = 0 : i64, scratch_operands = 0 : i64, tpu.core_type = #tpu.core_type<tc>} {
    %get3A = arith.constant 0 : index
    %get3A_0 = arith.constant 0 : index
    %get3A_1 = vector.load %arg0[%get3A, %get3A_0] : memref<10000x128xf32, #tpu.memory_space<vmem>>, vector<10000x128xf32>
    %get3A_2 = arith.constant 0 : index
    %get3A_3 = arith.constant 0 : index
    %get3A_4 = vector.load %arg1[%get3A_2, %get3A_3] : memref<10000x1xf32, #tpu.memory_space<vmem>>, vector<10000x1xf32>
    %gt3A = arith.constant 0.000000e+00 : f32
    %gt3A_5 = vector.broadcast %gt3A : f32 to vector<10000x1xf32>
    %gt3A_6 = arith.cmpf ogt, %get3A_4, %gt3A_5 : vector<10000x1xf32>
    %rsqrt3A = math.rsqrt %get3A_4 : vector<10000x1xf32>
    %jit3A = arith.constant 0.000000e+00 : f32
    %broadcast_in_dim3A = vector.broadcast %jit3A : f32 to vector<10000x1xf32>
    %select_n3A = arith.select %gt3A_6, %rsqrt3A, %broadcast_in_dim3A : vector<10000x1xi1>, vector<10000x1xf32>
    %mul3A = vector.broadcast %select_n3A : vector<10000x1xf32> to vector<10000x128xf32>
    %mul3A_7 = arith.mulf %get3A_1, %mul3A : vector<10000x128xf32>
    %swap3A = arith.constant 0 : index
    %swap3A_8 = arith.constant 0 : index
    %swap3A_9 = vector.load %arg2[%swap3A, %swap3A_8] : memref<10000x128xf32, #tpu.memory_space<vmem>>, vector<10000x128xf32>
    tpu.vector_store %arg2[%swap3A, %swap3A_8], %mul3A_7 {strides = array<i32>} : memref<10000x128xf32, #tpu.memory_space<vmem>>, vector<10000x128xf32>,
    return
  }
}

module attributes {stable_mosaic.version = 14 : i64} {
  func.func @_mid_body(%arg0: memref<4x2560x128xf32, #tpu.memory_space<vmem>>, %arg1: memref<10000x1xf32, #tpu.memory_space<vmem>>, %arg2: memref<1x128xf32, #tpu.memory_space<vmem>>, %arg3: memref<1x128xf32, #tpu.memory_space<vmem>>, %arg4: memref<1x128xf32, #tpu.memory_space<vmem>>, %arg5: memref<128x128xf32, #tpu.memory_space<vmem>>, %arg6: memref<10000x128xf32, #tpu.memory_space<vmem>>, %arg7: memref<10000x128xf32, #tpu.memory_space<vmem>>) attributes {dimension_semantics = [], scalar_prefetch = 0 : i64, scratch_operands = 0 : i64, tpu.core_type = #tpu.core_type<tc>} {
    %get3A = arith.constant 0 : index
    %get3A_0 = arith.constant 0 : index
    %get3A_1 = vector.load %arg1[%get3A, %get3A_0] : memref<10000x1xf32, #tpu.memory_space<vmem>>, vector<10000x1xf32>
    %gt3A = arith.constant 0.000000e+00 : f32
    %gt3A_2 = vector.broadcast %gt3A : f32 to vector<10000x1xf32>
    %gt3A_3 = arith.cmpf ogt, %get3A_1, %gt3A_2 : vector<10000x1xf32>
    %rsqrt3A = math.rsqrt %get3A_1 : vector<10000x1xf32>
    %jit3A = arith.constant 0.000000e+00 : f32
    %broadcast_in_dim3A = vector.broadcast %jit3A : f32 to vector<10000x1xf32>
    %select_n3A = arith.select %gt3A_3, %rsqrt3A, %broadcast_in_dim3A : vector<10000x1xi1>, vector<10000x1xf32>
    %get3A_4 = arith.constant 0 : index
    %get3A_5 = arith.constant 0 : index
    %get3A_6 = arith.constant 0 : index
    %get3A_7 = vector.load %arg0[%get3A_4, %get3A_5, %get3A_6] : memref<4x2560x128xf32, #tpu.memory_space<vmem>>, vector<4x2560x128xf32>
    %reshape3A = vector.shape_cast %get3A_7 : vector<4x2560x128xf32> to vector<10240x128xf32>
    %slice3A = vector.extract_strided_slice %reshape3A {offsets = [0, 0], sizes = [10000, 128], strides = [1, 1]} : vector<10240x128xf32> to vector<10000x128xf32>
    %mul3A = vector.broadcast %select_n3A : vector<10000x1xf32> to vector<10000x128xf32>
    %mul3A_8 = arith.mulf %slice3A, %mul3A : vector<10000x128xf32>
    %get3A_9 = arith.constant 0 : index
    %get3A_10 = arith.constant 0 : index
    %get3A_11 = vector.load %arg2[%get3A_9, %get3A_10] : memref<1x128xf32, #tpu.memory_space<vmem>>, vector<1x128xf32>
    %add3A = vector.broadcast %get3A_11 : vector<1x128xf32> to vector<10000x128xf32>
    %add3A_12 = arith.addf %mul3A_8, %add3A : vector<10000x128xf32>
    %reduce_sum3A = arith.constant dense<0.000000e+00> : vector<128xf32>
    %reduce_sum3A_13 = vector.multi_reduction <add>, %add3A_12, %reduce_sum3A [0] : vector<10000x128xf32> to vector<128xf32>
    %broadcast_in_dim3A_14 = vector.shape_cast %reduce_sum3A_13 : vector<128xf32> to vector<1x128xf32>
    %div3A = arith.constant 1.000000e+04 : f32
    %div3A_15 = vector.broadcast %div3A : f32 to vector<1x128xf32>
    %div3A_16 = arith.divf %broadcast_in_dim3A_14, %div3A_15 : vector<1x128xf32>
    %sub3A = vector.broadcast %div3A_16 : vector<1x128xf32> to vector<10000x128xf32>
    %sub3A_17 = arith.subf %add3A_12, %sub3A : vector<10000x128xf32>
    %mul3A_18 = arith.mulf %sub3A_17, %sub3A_17 : vector<10000x128xf32>
    %reduce_sum3A_19 = arith.constant dense<0.000000e+00> : vector<128xf32>
    %reduce_sum3A_20 = vector.multi_reduction <add>, %mul3A_18, %reduce_sum3A_19 [0] : vector<10000x128xf32> to vector<128xf32>
    %broadcast_in_dim3A_21 = vector.shape_cast %reduce_sum3A_20 : vector<128xf32> to vector<1x128xf32>
    %div3A_22 = arith.constant 1.000000e+04 : f32
    %div3A_23 = vector.broadcast %div3A_22 : f32 to vector<1x128xf32>
    %div3A_24 = arith.divf %broadcast_in_dim3A_21, %div3A_23 : vector<1x128xf32>
    %get3A_25 = arith.constant 0 : index
    %get3A_26 = arith.constant 0 : index
    %get3A_27 = vector.load %arg3[%get3A_25, %get3A_26] : memref<1x128xf32, #tpu.memory_space<vmem>>, vector<1x128xf32>
    %add3A_28 = arith.constant 9.99999974E-6 : f32
    %add3A_29 = vector.broadcast %add3A_28 : f32 to vector<1x128xf32>
    %add3A_30 = arith.addf %div3A_24, %add3A_29 : vector<1x128xf32>
    %rsqrt3A_31 = math.rsqrt %add3A_30 : vector<1x128xf32>
    %mul3A_32 = arith.mulf %get3A_27, %rsqrt3A_31 : vector<1x128xf32>
    %mul3A_33 = vector.broadcast %mul3A_32 : vector<1x128xf32> to vector<10000x128xf32>
    %mul3A_34 = arith.mulf %sub3A_17, %mul3A_33 : vector<10000x128xf32>
    %get3A_35 = arith.constant 0 : index
    %get3A_36 = arith.constant 0 : index
    %get3A_37 = vector.load %arg4[%get3A_35, %get3A_36] : memref<1x128xf32, #tpu.memory_space<vmem>>, vector<1x128xf32>
    %add3A_38 = vector.broadcast %get3A_37 : vector<1x128xf32> to vector<10000x128xf32>
    %add3A_39 = arith.addf %mul3A_34, %add3A_38 : vector<10000x128xf32>
    %swap3A = arith.constant 0 : index
    %swap3A_40 = arith.constant 0 : index
    %swap3A_41 = vector.load %arg7[%swap3A, %swap3A_40] : memref<10000x128xf32, #tpu.memory_space<vmem>>, vector<10000x128xf32>
    tpu.vector_store %arg7[%swap3A, %swap3A_40], %add3A_39 {strides = array<i32>} : memref<10000x128xf32, #tpu.memory_space<vmem>>, vector<10000x128xf32>,
    %max3A = arith.constant 0.000000e+00 : f32
    %max3A_42 = vector.broadcast %max3A : f32 to vector<10000x128xf32>
    %max3A_43 = arith.maximumf %add3A_39, %max3A_42 : vector<10000x128xf32>
    %get3A_44 = arith.constant 0 : index
    %get3A_45 = arith.constant 0 : index
    %get3A_46 = vector.load %arg5[%get3A_44, %get3A_45] : memref<128x128xf32, #tpu.memory_space<vmem>>, vector<128x128xf32>
    %dot_general3A = arith.constant dense<0.000000e+00> : vector<10000x128xf32>
    %dot_general3A_47 = tpu.matmul %max3A_43, %get3A_46, %dot_general3A {dimension_numbers = #tpu.dot_dimension_numbers<[1], [0], [0], [1], [0, 0, 1, 1], [], []>, transpose_lhs_hint = false} : vector<10000x128xf32>, vector<128x128xf32>, vector<10000x128xf32> -> vector<10000x128xf32>
    %mul3A_48 = vector.broadcast %select_n3A : vector<10000x1xf32> to vector<10000x128xf32>
    %mul3A_49 = arith.mulf %dot_general3A_47, %mul3A_48 : vector<10000x128xf32>
    %swap3A_50 = arith.constant 0 : index
    %swap3A_51 = arith.constant 0 : index
    %swap3A_52 = vector.load %arg6[%swap3A_50, %swap3A_51] : memref<10000x128xf32, #tpu.memory_space<vmem>>, vector<10000x128xf32>
    tpu.vector_store %arg6[%swap3A_50, %swap3A_51], %mul3A_49 {strides = array<i32>} : memref<10000x128xf32, #tpu.memory_space<vmem>>, vector<10000x128xf32>,
    return
  }
}

</mosaic_0001>

<sc_bundles>
// kernel: closed_call.12.cloned.1.call-start
scs
__scs_entry_jumppad:
0x0: {  	(pc) =	sbr.rel $0x88, $3  }
0x1: {  	(tag) =	ssettag $0x0;
	lr =	simm.s32 $0x1  }
0x2: {  	[smem:$0x3F93] =	sst lr;
	_ =	strace $0xD0000000  }
0x3: {  	_ = 	snop  }
0x4: {  	_ = 	snop  }
0x5: {  	_ = 	snop  }
0x6: {  	_ = 	snop  }
0x7: {  	_ = 	snop  }
__scs_overlays_trampoline_lowered:
0x8: {  	[smem:$0x3FA2] =	sst s0  }
0x9: {  	[smem:$0x3FA3] =	sst s1  }
0xa: {  	[smem:$0x3FA4] =	sst s2  }
0xb: {  	[smem:$0x3FA5] =	sst s3  }
0xc: {  	[smem:$0x3FA6] =	sst s4  }
0xd: {  	[smem:$0x3FA7] =	sst s5  }
0xe: {  	[smem:$0x3FA8] =	sst s6  }
0xf: {  	[smem:$0x3FA9] =	sst s7  }
0x10: {  	[smem:$0x3FAA] =	sst s8  }
0x11: {  	[smem:$0x3FAB] =	sst s9;
	s0 =	simm.s32 @!p0 $0x0  }
0x12: {  	s1 =	sld [smem:$0x3F91];
	s0 =	simm.s32 @p0 $0x1  }
0x13: {  	[smem:$0x3FAC] =	sst s0;
	s0 =	simm.s32 @!p1 $0x0  }
0x14: {  	s2 =	sld [smem:$0x3F90];
	s0 =	simm.s32 @p1 $0x1  }
0x15: {  	[smem:$0x3FAD] =	sst s0;
	s0 =	simm.s32 @!p2 $0x0  }
0x16: {  	s3 =	sld [smem:$0x3FDB];
	s0 =	simm.s32 @p2 $0x1  }
0x17: {  	s4 =	simm.s32 $0x1BF5;
	[smem:$0x3FAF] =	sst s0  }
0x18: {  	s0 =	sld [smem:$0x3F92];
	_ =	swait.ge [sflag:s4], $0x0  }
0x19: {  	s7 =	sld [smem:$0x3F93]  }
0x1a: {  	s8 =	sadd.s32 $0xFFFFE003, lr  }
0x1b: {  	s9 =	sadd.s32 $0xFFFFFEF7, lr;
	s5 =	simm.s32 $0xFFFFFFFF;
	p2 =	slt.u32 s8, $0xFFFFF086  }
0x1c: {  	p1 =	slt.u32 s9, $0xF7A;
	s5 =	simm.s32 @!p2 $0x0  }
0x1d: {  	s5 =	simm.s32 @p1 $0x1;
	p0 =	seq.s32 s7, s2  }
0x1e: {  	s7 =	smul.u32 @!p0 $0xF7A, s2;
	p2 =	seq.s32 @!p0 s5, $0x0  }
0x1f: {  	s9 =	smul.u32 $0xF7A, s1;
	s8 =	simm.s32 @!p0 $0x1BF5;
	p2 =	por !p2, p0  }
0x20: {  	[sflag:s8] =	ssyncset.s32 @!p0 $0xFFFFF086;
	s6 =	sadd.s32 @!p0 s3, s7;
	s7 =	simm.s32 @!p0 $0x108  }
0x21: {  	s3 =	sadd.s32 s3, s9;
	s6 =	sadd.s32 @!p0 $0x88, s6;
	s7 =	simm.s32 @p2 $0x1082  }
0x22: {  	[simem:s7], [sflag:s8] =	dma.local @!p0 [hbm:s6], $0xF7A  }
0x23: {  	s9 =	sor.u32 $0xD0000000, s2;
	s6 =	simm.s32 $0x108;
	_ =	swait.ge @!p0 [sflag:s8], $0x0  }
0x24: {  	s3 =	sadd.s32 $0x88, s3;
	s6 =	simm.s32 @!p1 $0x1082;
	[sflag:s4] =	ssyncset.s32 $0xFFFFF086  }
0x25: {  	[simem:s6], [sflag:s4] =	dma.local [hbm:s3], $0xF7A  }
0x26: {  	[smem:$0x3F93] =	sst s1;
	(tag) =	ssettag s2;
	_ =	strace s9  }
0x27: {  	s1 =	sld [smem:$0x3FA3]  }
0x28: {  	s2 =	sld [smem:$0x3FA4]  }
0x29: {  	s4 =	sld [smem:$0x3FA6]  }
0x2a: {  	p0 =	seq.s32 s5, $0x0;
	s5 =	sld [smem:$0x3FA7]  }
0x2b: {  	s6 =	sld [smem:$0x3FA8]  }
0x2c: {  	s7 =	sld [smem:$0x3FA9]  }
0x2d: {  	s3 =	simm.s32 $0x108;
	s8 =	sld [smem:$0x3FAA]  }
0x2e: {  	s3 =	simm.s32 @!p0 $0x1082;
	s9 =	sld [smem:$0x3FAB]  }
0x2f: {  	lr =	sadd.s32 s0, s3;
	s0 =	sld [smem:$0x3FA2]  }
0x30: {  	s3 =	sld [smem:$0x3FA5]  }
0x31: {  	[smem:$0x3FAE] =	sst s10  }
0x32: {  	s10 =	sld [smem:$0x3FAC];
	_ =	sdelay $0x3  }
0x33: {  	p0 =	seq.s32 s10, $0x1;
	s10 =	sld [smem:$0x3FAE];
	_ =	sdelay $0x3  }
0x34: {  	[smem:$0x3FAE] =	sst s10  }
0x35: {  	s10 =	sld [smem:$0x3FAD];
	_ =	sdelay $0x3  }
0x36: {  	p1 =	seq.s32 s10, $0x1;
	s10 =	sld [smem:$0x3FAE];
	_ =	sdelay $0x3  }
0x37: {  	[smem:$0x3FAE] =	sst s10  }
0x38: {  	s10 =	sld [smem:$0x3FAF]  }
0x39: {  	_ = 	snop;
	(pc) =	sbr.ind lr, $3  }
0x3a: {  	_ = 	snop  }
0x3b: {  	_ = 	snop  }
0x3c: {  	p2 =	seq.s32 s10, $0x1;
	s10 =	sld [smem:$0x3FAE]  }
0x3d: {  	_ =	shalt  }
0x3e: {  	_ =	shalt  }
0x3f: {  	_ =	shalt  }
0x40: {  	_ =	shalt  }
0x41: {  	_ =	shalt  }
0x42: {  	_ =	shalt  }
0x43: {  	_ =	shalt  }
0x44: {  	_ =	shalt  }
0x45: {  	_ =	shalt  }
0x46: {  	_ =	shalt  }
0x47: {  	_ =	shalt  }
0x48: {  	_ =	shalt  }
0x49: {  	_ =	shalt  }
0x4a: {  	_ =	shalt  }
0x4b: {  	_ =	shalt  }
0x4c: {  	_ =	shalt  }
0x4d: {  	_ =	shalt  }
0x4e: {  	_ =	shalt  }
0x4f: {  	_ =	shalt  }
0x50: {  	_ =	shalt  }
0x51: {  	_ =	shalt  }
0x52: {  	_ =	shalt  }
0x53: {  	_ =	shalt  }
0x54: {  	_ =	shalt  }
0x55: {  	_ =	shalt  }
0x56: {  	_ =	shalt  }
0x57: {  	_ =	shalt  }
0x58: {  	_ =	shalt  }
0x59: {  	_ =	shalt  }
0x5a: {  	_ =	shalt  }
0x5b: {  	_ =	shalt  }
0x5c: {  	_ =	shalt  }
0x5d: {  	_ =	shalt  }
0x5e: {  	_ =	shalt  }
0x5f: {  	_ =	shalt  }
0x60: {  	_ =	shalt  }
0x61: {  	_ =	shalt  }
0x62: {  	_ =	shalt  }
0x63: {  	_ =	shalt  }
0x64: {  	_ =	shalt  }
0x65: {  	_ =	shalt  }
0x66: {  	_ =	shalt  }
0x67: {  	_ =	shalt  }
0x68: {  	_ =	shalt  }
0x69: {  	_ =	shalt  }
0x6a: {  	_ =	shalt  }
0x6b: {  	_ =	shalt  }
0x6c: {  	_ =	shalt  }
0x6d: {  	_ =	shalt  }
0x6e: {  	_ =	shalt  }
0x6f: {  	_ =	shalt  }
0x70: {  	_ =	shalt  }
0x71: {  	_ =	shalt  }
0x72: {  	_ =	shalt  }
0x73: {  	_ =	shalt  }
0x74: {  	_ =	shalt  }
0x75: {  	_ =	shalt  }
0x76: {  	_ =	shalt  }
0x77: {  	_ =	shalt  }
0x78: {  	_ =	shalt  }
0x79: {  	_ =	shalt  }
0x7a: {  	_ =	shalt  }
0x7b: {  	_ =	shalt  }
0x7c: {  	_ =	shalt  }
0x7d: {  	_ =	shalt  }
0x7e: {  	_ =	shalt  }
0x7f: {  	_ =	shalt  }
0x80: {  	_ =	shalt  }
0x81: {  	_ =	shalt  }
0x82: {  	_ =	shalt  }
0x83: {  	_ =	shalt  }
0x84: {  	_ =	shalt  }
0x85: {  	_ =	shalt  }
0x86: {  	_ =	shalt  }
0x87: {  	_ =	shalt  }
.Lfunc_end0:
.L_simem_size_0:
called_computation_lowered:
.L_overlay_start_0:
0x88: {  	s2 =	sld [smem:$0x3FD9]  }
0x89: {  	s3 =	sld [smem:$0x3FFE];
	_ =	sdelay $0x1  }
0x8a: {  	s1 =	srdreg.scid  }
0x8b: {  	s0 =	sand.u32 $0x1, s1  }
0x8c: {  	s17 =	sshll.u32 s0, $0xA;
	s2 =	sadd.s32 s3, s2  }
0x8d: {  	s2 =	sadd.s32 s2, s17  }
0x8e: {  	[smem:$0x3FBA] =	sst s2  }
0x8f: {  	_ = 	snop  }
0x90: {  	s2 =	sld [smem:$0x3FD0];
	(tm) =	ssettm $0x1  }
0x91: {  	s18 =	sld [smem:$0x3FFB];
	_ =	sdelay $0x3  }
0x92: {  	_ =	strace s18  }
0x93: {  	s3 =	sld [smem:$0x3FFC];
	_ =	sdelay $0x3  }
0x94: {  	_ =	strace s3  }
0x95: {  	s3 =	sld [smem:$0x3FFD];
	_ =	sdelay $0x3  }
0x96: {  	_ =	strace s3  }
0x97: {  	_ =	strace $0x8FFFFFFF  }
0x98: {  	s19 =	sld [smem:$0x3FDB];
	_ =	sdelay $0x1  }
0x99: {  	s4 =	simm.s32 $_scs_section_size  }
0x9a: {  	s5 =	simm.s32 $_size__tile_overlayer_lowered;
	s6 =	simm.s32 $_tile_overlayer_lowered  }
0x9b: {  	s22 =	simm.s32 $0x1BFF;
	s21 =	sshll.u32 s6, $0x1;
	s3 =	sadd.s32 s4, s19  }
0x9c: {  	s7 =	simm.s32 $0x0;
	s20 =	sshll.u32 s5, $0x1;
	s5 =	sadd.s32 s21, s3  }
0x9d: {  	[timem:s7], [sflag:s22] =	dma.local [hbm:s5], s20  }
0x9e: {  	_ =	swait.ge [sflag:s22], s20  }
0x9f: {  	s4 =	ssub.s32 $0x0, s20;
	[sflag:s22] =	ssyncset.done $0x0  }
0xa0: {  	[sflag:s22] =	ssyncadd.s32 s4;
	_ =	sdelay $0x1  }
0xa1: {  	s23 =	simm.s32 $0x1B8B  }
0xa2: {  	_ =	swait.ge [sflag:s23], $0x1  }
0xa3: {  	[sflag:s23] =	ssyncset.done $0x0  }
0xa4: {  	s25 =	simm.s32 $0x1B8E;
	s24 =	sld [smem:$0x3FFE];
	[sflag:s23] =	ssyncadd.s32 $0xFFFFFFFF  }
0xa5: {  	s26 =	simm.s32 $execute0_lowered;
	[smem:$0x3FD2] =	sst s25  }
0xa6: {  	s5 =	sshll.u32 s26, $0x1;
	_ =	strace $0x80000049;
	[dreg:$0x1] =	wrdreg $0xFFFFFFFF  }
0xa7: {  	s28 =	simm.s32 $_size_execute0_lowered;
	s3 =	sadd.s32 s3, s5;
	[dreg:$0x0] =	wrdreg $0x0  }
0xa8: {  	s5 =	sshll.u32 s28, $0x1;
	[dreg:$0x2] =	wrdreg s3  }
0xa9: {  	[dreg:$0x3] =	wrdreg s5  }
0xaa: {  	[dreg:$0x4] =	wrdreg $0xC0  }
0xab: {  	_ =	task [dreg:s7], $0x5FFFF  }
0xac: {  	[dreg:$0x1] =	wrdreg $0xFFFFFFFF  }
0xad: {  	[dreg:$0x0] =	wrdreg $0x60  }
0xae: {  	[dreg:$0x2] =	wrdreg s2  }
0xaf: {  	[dreg:$0x3] =	wrdreg s24  }
0xb0: {  	[dreg:$0x4] =	wrdreg $0x198000  }
0xb1: {  	[dreg:$0x5] =	wrdreg $0x9  }
0xb2: {  	_ =	task.clear_ibuf [dreg:s7], $0x6FFFF;
	_ =	strace $0x90000049  }
0xb3: {  	s29 =	simm.s32 $0x9;
	_ =	strace $0x8000004B  }
0xb4: {  	_ =	swait.ge [sflag:s29], $0x1  }
0xb5: {  	[sflag:s29] =	ssyncadd.s32 $0xFFFFFFFF  }
0xb6: {  	_ =	strace $0x9000004B  }
0xb7: {  	_ =	sfence  }
0xb8: {  	s30 =	sld [smem:$0x0];
	_ =	sdelay $0x2  }
0xb9: {  	s31 =	sshll.u32 s1, $0xD;
	s1 =	sshrl.u32 s1, $0x2  }
0xba: {  	s3 =	sand.u32 $0x4000, s31;
	s1 =	sadd.s32 s1, s30  }
0xbb: {  	s0 =	sor.u32 s3, s0;
	s1 =	sshll.u32 s1, $0x11  }
0xbc: {  	s0 =	sor.u32 s1, s0  }
0xbd: {  	s0 =	sadd.s32 $0x8F2B, s0  }
0xbe: {  	[sflag:s0] =	ssyncadd.remote.s32 $0x1  }
0xbf: {  	_ =	sfence.sel $0xFFFF  }
0xc0: {  	[dreg:$0x0] =	wrdreg $0xFFFFFFFF;
	(pc) =	sbr.abs _section_cstart, $3  }
0xc1: {  	[dreg:$0x1] =	wrdreg $0xFFFFFFFF  }
0xc2: {  	_ =	task.clear_ibuf [dreg:s7], $0x2FFFF;
	_ =	strace $0x9FFFFFFF  }
0xc3: {  	(tm) =	ssettm $0x7FFFFFFF  }
tec
execute0_lowered:
.L_overlay_start_1:
0x0: {  	(tag) =	ssettag $0x1  }
0x1: {  	s1 =	rddreg [dreg:$0x0]  }
0x2: {  	s5 =	rddreg [dreg:$0x1]  }
0x3: {  	s3 =	rddreg [dreg:$0x2];
	s2 =	stileid.u32  }
0x4: {  	s0 =	rddreg [dreg:$0x3];
	s6 =	smul.u32 $0xB00, s2  }
0x5: {  	s4 =	simm.s32 $0x0;
	s7 =	srdreg.scid;
	s8 =	smul.u32 $0x14000, s2  }
0x6: {  	[smem:$0x7FF] =	sst s4;
	s7 =	sand.u32 $0x1, s7;
	s10 =	smul.u32 $0x5000, s2  }
0x7: {  	s14 =	sadd.s32 $0xDC00, s5;
	_ =	strace $0x8000004A;
	s12 =	smul.u32 $0xA0000, s7  }
0x8: {  	s9 =	ssub.s32 $0x2, s7;
	s13 =	sshllo.u32 s7, $0x1;
	s15 =	smul.u32 $0xFFFFEC00, s7  }
0x9: {  	s6 =	sadd.s32 s6, s5;
	s11 =	sshrl.u32 s9, $0x1;
	s26 =	smul.u32 $0x50000, s13  }
0xa: {  	s29 =	sshrl.u32 s8, $0x2;
	s13 =	smul.u32 $0xFFFFF600, s13;
	s9 =	ssub.s32 s9, s11  }
0xb: {  	s5 =	sadd.s32 $0x2C00, s6;
	s28 =	sadd.s32 s10, s12;
	s6 =	sadd.s32 s29, s3  }
0xc: {  	s11 =	simm.s32 $0x14800;
	s12 =	simm.s32 $0x80;
	v0 =	vmov s15;
	s15 =	simm.s32 $0x0  }
0xd: {  	s30 =	sshrl.u32 s28, $0x3;
	s10 =	sadd.s32 s10, s26;
	s9 =	smax.u32 s9, $0x1  }
0xe: {  	v1 =	vmov s13;
	s13 =	simm.s32 $0x10800;
	s7 =	sadd.s32 s14, s30;
	s31 =	sshrl.u32 s10, $0x3  }
0xf: {  	v2 =	vimm.f32 $0.0e+00;
	s10 =	simm.s32 $0x2;
	s8 =	sadd.s32 s14, s31;
	s14 =	simm.s32 $0x1  }
.LBB2_1:
0x10: {  	s16 =	sand.u32 $0x1FE00, s4  }
0x11: {  	s17 =	sand.u32 $0x70, s4;
	s18 =	sshrl.u32 s16, $0x2  }
0x12: {  	s16 =	simm.s32 $0x40;
	s18 =	sor.u32 s17, s18;
	s17 =	simm.s32 $0x0  }
.LBB2_2:
0x13: {  	p0 =	sne.s32 s16, $0x13FC0  }
0x14: {  	[tilespmem:s18+$0x14800] =	vst v2;
	s17 =	sadd.s32 $0x10, s17;
	s18 =	smov.u32 s16;
	s16 =	sadd.s32 $0x40, s16  }
.Ltmp0:
0x15: {  	(pc) =	sbr.rel @p0 .LBB2_2-.Ltmp0, $4  }
0x16: {  	_ = 	snop  }
0x17: {  	s18 =	sand.u32 $0x1FE00, s18  }
0x18: {  	s19 =	sand.u32 $0x70, s17;
	s18 =	sshrl.u32 s18, $0x2  }
0x19: {  	s18 =	sor.u32 s19, s18  }
0x1a: {  	[tilespmem:s18+$0x14800] =	vst v2;
	s16 =	simm.s32 $0x0  }
0x1b: {  	[tilespmem:s16], [sflag:$0x2] =	stream.linear.gather [hbm4b:s5+s16], $0x5800, $0x38;
	[tilespmem:$0x1E840] =	vst v63  }
0x1c: {  	_ =	swait.ge [sflag:s10], $0x5800  }
0x1d: {  	[sflag:s10] =	ssyncset.done $0x0  }
0x1e: {  	s16 =	simm.s32 $0x0;
	[sflag:s10] =	ssyncadd.s32 $0xFFFFA800  }
0x1f: {  	s17 =	simm.s32 $0x40;
	s18 =	simm.s32 $0x0;
	v3 =	vld [tilespmem:s16+$0x0]  }
.LBB2_4:
0x20: {  	p0 =	sne.s32 s17, $0x15FC0  }
.Ltmp1:
0x21: {  	_ = 	snop;
	(pc) =	sbr.rel @p0 .LBB2_4-.Ltmp1, $3  }
0x22: {  	_ =	sdelay $0x1  }
0x23: {  	s19 =	sshra.s32 s17, $0x2;
	s17 =	sadd.s32 $0x40, s17;
	v4 =	vshrl.u32 v3, $0xE  }
0x24: {  	v3 =	vld [tilespmem:s19+$0x0];
	[tilespmem:s18+$0x5800] =	vst v4;
	s18 =	smov.u32 s19  }
0x25: {  	_ =	sdelay $0x3  }
0x26: {  	v3 =	vshrl.u32 v3, $0xE  }
0x27: {  	[tilespmem:s18+$0x5800] =	vst v3  }
0x28: {  	s17 =	simm.s32 $0x40;
	v3 =	vld [tilespmem:s16+$0x0]  }
.LBB2_6:
0x29: {  	_ =	sdelay $0x1  }
0x2a: {  	p0 =	sne.s32 s17, $0x15FC0  }
.Ltmp2:
0x2b: {  	_ = 	snop;
	(pc) =	sbr.rel @p0 .LBB2_6-.Ltmp2, $4  }
0x2c: {  	v4 =	vand.u32 $0x3FFF, v3  }
0x2d: {  	v4 =	vadd.s32 v0, v4  }
0x2e: {  	s18 =	sshra.s32 s17, $0x2;
	v4 =	vmin.u32 v4, $0xA00  }
0x2f: {  	s17 =	sadd.s32 $0x40, s17;
	v3 =	vld [tilespmem:s18+$0x0];
	[tilespmem:s16+$0xB000] =	vst v4;
	s16 =	smov.u32 s18  }
0x30: {  	_ =	sdelay $0x3  }
0x31: {  	v3 =	vand.u32 $0x3FFF, v3  }
0x32: {  	v3 =	vadd.s32 v0, v3  }
0x33: {  	v3 =	vmin.u32 v3, $0xA00  }
0x34: {  	[tilespmem:s16+$0xB000] =	vst v3  }
0x35: {  	[spmem:s6] =	stream.linear.scatter [tilespmem:s11], [sflag:$0x2], $0x5000, $0x38;
	[tilespmem:$0x1E840] =	vst v63  }
0x36: {  	_ =	swait.ge [sflag:s10], $0x5000  }
0x37: {  	[sflag:s10] =	ssyncset.done $0x0  }
0x38: {  	[sflag:s10] =	ssyncadd.s32 $0xFFFFB000  }
0x39: {  	s30 =	simm.s32 $0x5800;
	[bflag:$0x0] =	sbarrier.arrive $0xFFFF  }
0x3a: {  	[tilespmem:s13], [sflag:$0x1] =	stream.indirect.gather [hbm4b:s1+s12], $0x80, s30, s12, $0xb8;
	[tilespmem:$0x1E840] =	vst v63  }
0x3b: {  	_ =	swait.ge [sflag:s14], $0x4000  }
0x3c: {  	[sflag:s14] =	ssyncset.done $0x0  }
0x3d: {  	s31 =	simm.s32 $0xB000;
	[sflag:s14] =	ssyncadd.s32 $0xFFFFC000  }
0x3e: {  	[spmem:s3] =	stream.indirect.scatter.add.f32 [tilespmem:s13], [sflag:$0x2], $0x80, s31, s12, $0xb8;
	[tilespmem:$0x1E840] =	vst v63  }
0x3f: {  	_ =	swait.ge [sflag:s10], $0x4000  }
0x40: {  	s17 =	simm.s32 $0x400;
	s16 =	simm.s32 $0x80;
	[sflag:s10] =	ssyncset.done $0x0  }
.LBB2_8:
0x41: {  	s18 =	sadd.s32 $0x5800, s16  }
0x42: {  	[sflag:s10] =	ssyncadd.s32 $0xFFFFC000;
	s19 =	smov.u32 s17;
	s20 =	sadd.s32 $0x200, s17  }
0x43: {  	[tilespmem:s13], [sflag:$0x1] =	stream.indirect.gather [hbm4b:s1+s12], $0x80, s18, s12, $0xb8;
	[tilespmem:$0x1E840] =	vst v63  }
0x44: {  	p0 =	sne.s32 s17, $0x15E00;
	_ =	swait.ge [sflag:s14], $0x4000  }
.Ltmp3:
0x45: {  	[sflag:s14] =	ssyncset.done $0x0;
	(pc) =	sbr.rel @p0 .LBB2_8-.Ltmp3, $4  }
0x46: {  	s16 =	sadd.s32 $0xB000, s16;
	[sflag:s14] =	ssyncadd.s32 $0xFFFFC000  }
0x47: {  	[spmem:s3] =	stream.indirect.scatter.add.f32 [tilespmem:s13], [sflag:$0x2], $0x80, s16, s12, $0xb8;
	[tilespmem:$0x1E840] =	vst v63  }
0x48: {  	_ =	swait.ge [sflag:s10], $0x4000  }
0x49: {  	s17 =	smov.u32 s20;
	s16 =	sshra.s32 s19, $0x2;
	[sflag:s10] =	ssyncset.done $0x0  }
0x4a: {  	s17 =	sadd.s32 $0x5800, s16;
	[sflag:s10] =	ssyncadd.s32 $0xFFFFC000  }
0x4b: {  	[tilespmem:s13], [sflag:$0x1] =	stream.indirect.gather [hbm4b:s1+s12], $0x80, s17, s12, $0xb8;
	[tilespmem:$0x1E840] =	vst v63  }
0x4c: {  	_ =	swait.ge [sflag:s14], $0x4000  }
0x4d: {  	[sflag:s14] =	ssyncset.done $0x0  }
0x4e: {  	s30 =	sadd.s32 $0xB000, s16;
	[sflag:s14] =	ssyncadd.s32 $0xFFFFC000  }
0x4f: {  	[spmem:s3] =	stream.indirect.scatter.add.f32 [tilespmem:s13], [sflag:$0x2], $0x80, s30, s12, $0xb8;
	[tilespmem:$0x1E840] =	vst v63  }
0x50: {  	_ =	swait.ge [sflag:s10], $0x4000  }
0x51: {  	[sflag:s10] =	ssyncset.done $0x0  }
0x52: {  	s31 =	sshll.u32 s2, $0x6;
	[sflag:s10] =	ssyncadd.s32 $0xFFFFC000  }
0x53: {  	s16 =	sor.u32 $0x1C02, s31;
	s17 =	sshrl.u32 s6, $0x3;
	[bflag:$0x0] =	sbarrier.arrive $0xFFFF  }
0x54: {  	[hbm:s7], [sflag:s16] =	dma.local [spmem:s17], $0xA00  }
0x55: {  	_ =	swait.ge [sflag:s10], $0xA00  }
0x56: {  	[sflag:s10] =	ssyncset.done $0x0  }
0x57: {  	[sflag:s10] =	ssyncadd.s32 $0xFFFFF600  }
0x58: {  	s18 =	simm.s32 $0x0;
	[bflag:$0x0] =	sbarrier.arrive $0xFFFF  }
0x59: {  	s19 =	simm.s32 $0x40;
	v3 =	vld [tilespmem:s18+$0x0]  }
.LBB2_10:
0x5a: {  	_ =	sdelay $0x1  }
0x5b: {  	p0 =	sne.s32 s19, $0x15FC0  }
.Ltmp4:
0x5c: {  	_ = 	snop;
	(pc) =	sbr.rel @p0 .LBB2_10-.Ltmp4, $4  }
0x5d: {  	v4 =	vand.u32 $0x3FFF, v3  }
0x5e: {  	v4 =	vadd.s32 v1, v4  }
0x5f: {  	s20 =	sshra.s32 s19, $0x2;
	v4 =	vmin.u32 v4, $0xA00  }
0x60: {  	s19 =	sadd.s32 $0x40, s19;
	v3 =	vld [tilespmem:s20+$0x0];
	[tilespmem:s18+$0xB000] =	vst v4;
	s18 =	smov.u32 s20  }
0x61: {  	_ =	sdelay $0x3  }
0x62: {  	v3 =	vand.u32 $0x3FFF, v3  }
0x63: {  	v3 =	vadd.s32 v1, v3  }
0x64: {  	v3 =	vmin.u32 v3, $0xA00  }
0x65: {  	[tilespmem:s18+$0xB000] =	vst v3  }
0x66: {  	[spmem:s6] =	stream.linear.scatter [tilespmem:s11], [sflag:$0x2], $0x5000, $0x38;
	[tilespmem:$0x1E840] =	vst v63  }
0x67: {  	_ =	swait.ge [sflag:s10], $0x5000  }
0x68: {  	[sflag:s10] =	ssyncset.done $0x0  }
0x69: {  	[sflag:s10] =	ssyncadd.s32 $0xFFFFB000  }
0x6a: {  	s30 =	simm.s32 $0x5800;
	[bflag:$0x0] =	sbarrier.arrive $0xFFFF  }
0x6b: {  	[tilespmem:s13], [sflag:$0x1] =	stream.indirect.gather [hbm4b:s1+s12], $0x80, s30, s12, $0xb8;
	[tilespmem:$0x1E840] =	vst v63  }
0x6c: {  	_ =	swait.ge [sflag:s14], $0x4000  }
0x6d: {  	[sflag:s14] =	ssyncset.done $0x0  }
0x6e: {  	s31 =	simm.s32 $0xB000;
	[sflag:s14] =	ssyncadd.s32 $0xFFFFC000  }
0x6f: {  	[spmem:s3] =	stream.indirect.scatter.add.f32 [tilespmem:s13], [sflag:$0x2], $0x80, s31, s12, $0xb8;
	[tilespmem:$0x1E840] =	vst v63  }
0x70: {  	_ =	swait.ge [sflag:s10], $0x4000  }
0x71: {  	s19 =	simm.s32 $0x400;
	s18 =	simm.s32 $0x80;
	[sflag:s10] =	ssyncset.done $0x0  }
.LBB2_12:
0x72: {  	s20 =	sadd.s32 $0x5800, s18  }
0x73: {  	[sflag:s10] =	ssyncadd.s32 $0xFFFFC000;
	s21 =	smov.u32 s19;
	s22 =	sadd.s32 $0x200, s19  }
0x74: {  	[tilespmem:s13], [sflag:$0x1] =	stream.indirect.gather [hbm4b:s1+s12], $0x80, s20, s12, $0xb8;
	[tilespmem:$0x1E840] =	vst v63  }
0x75: {  	p0 =	sne.s32 s19, $0x15E00;
	_ =	swait.ge [sflag:s14], $0x4000  }
.Ltmp5:
0x76: {  	[sflag:s14] =	ssyncset.done $0x0;
	(pc) =	sbr.rel @p0 .LBB2_12-.Ltmp5, $4  }
0x77: {  	s18 =	sadd.s32 $0xB000, s18;
	[sflag:s14] =	ssyncadd.s32 $0xFFFFC000  }
0x78: {  	[spmem:s3] =	stream.indirect.scatter.add.f32 [tilespmem:s13], [sflag:$0x2], $0x80, s18, s12, $0xb8;
	[tilespmem:$0x1E840] =	vst v63  }
0x79: {  	_ =	swait.ge [sflag:s10], $0x4000  }
0x7a: {  	s19 =	smov.u32 s22;
	s18 =	sshra.s32 s21, $0x2;
	[sflag:s10] =	ssyncset.done $0x0  }
0x7b: {  	s19 =	sadd.s32 $0x5800, s18;
	[sflag:s10] =	ssyncadd.s32 $0xFFFFC000  }
0x7c: {  	[tilespmem:s13], [sflag:$0x1] =	stream.indirect.gather [hbm4b:s1+s12], $0x80, s19, s12, $0xb8;
	[tilespmem:$0x1E840] =	vst v63  }
0x7d: {  	_ =	swait.ge [sflag:s14], $0x4000  }
0x7e: {  	[sflag:s14] =	ssyncset.done $0x0  }
0x7f: {  	s31 =	sadd.s32 $0xB000, s18;
	[sflag:s14] =	ssyncadd.s32 $0xFFFFC000  }
0x80: {  	[spmem:s3] =	stream.indirect.scatter.add.f32 [tilespmem:s13], [sflag:$0x2], $0x80, s31, s12, $0xb8;
	[tilespmem:$0x1E840] =	vst v63  }
0x81: {  	_ =	swait.ge [sflag:s10], $0x4000  }
0x82: {  	[sflag:s10] =	ssyncset.done $0x0  }
0x83: {  	s15 =	sadd.s32 $0x1, s15;
	[sflag:s10] =	ssyncadd.s32 $0xFFFFC000  }
0x84: {  	p0 =	sne.s32 s15, s9;
	[bflag:$0x0] =	sbarrier.arrive $0xFFFF  }
0x85: {  	[hbm:s8], [sflag:s16] =	dma.local [spmem:s17], $0xA00  }
.Ltmp6:
0x86: {  	_ =	swait.ge [sflag:s10], $0xA00;
	(pc) =	sbr.rel @p0 .LBB2_1-.Ltmp6, $3  }
0x87: {  	[sflag:s10] =	ssyncset.done $0x0  }
0x88: {  	[sflag:s10] =	ssyncadd.s32 $0xFFFFF600  }
0x89: {  	[bflag:$0x0] =	sbarrier.arrive $0xFFFF;
	_ =	sdelay $0x1  }
0x8a: {  	_ =	sfence.sel $0x180000  }
0x8b: {  	[bflag:$0x0] =	sbarrier.arrive $0xFFFF  }
0x8c: {  	p0 =	sne.s32 s2, $0x0;
	_ =	strace $0x9000004A  }
0x8d: {  	s0 =	sadd.s32 @!p0 $0x100000, s0;
	[bflag:$0x2] =	sbarrier.arrive $0xFFFF  }
0x8e: {  	[sflag:s0] =	ssyncadd.tile.s32 @!p0 $0x1;
	_ =	shalt  }
.Lfunc_end2:
_tile_overlayer_lowered:
.L_overlay_start_2:
0x8f: {  	(tag) =	ssettag $0x2  }
0x90: {  	s0 =	rddreg [dreg:$0x0];
	s2 =	stileid.u32  }
0x91: {  	s1 =	rddreg [dreg:$0x1];
	p0 =	sne.s32 s2, $0x0  }
0x92: {  	s3 =	rddreg [dreg:$0x2];
	[bflag:$0x3] =	sbarrier.arrive $0xFFFF;
	s2 =	simm.s32 @!p0 $0x1C02  }
0x93: {  	[timem:s3], [sflag:s2] =	dma.local @!p0 [hbm:s0], s1  }
0x94: {  	s0 =	simm.s32 @!p0 $0x2  }
0x95: {  	_ =	swait.ge @!p0 [sflag:s0], s1  }
0x96: {  	s1 =	ssub.s32 @!p0 $0x0, s1;
	[sflag:s0] =	ssyncset.done @!p0 $0x0  }
0x97: {  	[sflag:s0] =	ssyncadd.s32 @!p0 s1  }
0x98: {  	[bflag:$0x3] =	sbarrier.arrive $0xFFFF  }
0x99: {  	_ =	shalt  }

// kernel: kernel.7.cloned.1.call-start
scs
__scs_entry_jumppad:
0x0: {  	(pc) =	sbr.rel $0x88, $3  }
0x1: {  	(tag) =	ssettag $0x0;
	lr =	simm.s32 $0x1  }
0x2: {  	[smem:$0x3F93] =	sst lr;
	_ =	strace $0xD0000000  }
0x3: {  	_ = 	snop  }
0x4: {  	_ = 	snop  }
0x5: {  	_ = 	snop  }
0x6: {  	_ = 	snop  }
0x7: {  	_ = 	snop  }
__scs_overlays_trampoline_lowered:
0x8: {  	[smem:$0x3FA2] =	sst s0  }
0x9: {  	[smem:$0x3FA3] =	sst s1  }
0xa: {  	[smem:$0x3FA4] =	sst s2  }
0xb: {  	[smem:$0x3FA5] =	sst s3  }
0xc: {  	[smem:$0x3FA6] =	sst s4  }
0xd: {  	[smem:$0x3FA7] =	sst s5  }
0xe: {  	[smem:$0x3FA8] =	sst s6  }
0xf: {  	[smem:$0x3FA9] =	sst s7  }
0x10: {  	[smem:$0x3FAA] =	sst s8  }
0x11: {  	[smem:$0x3FAB] =	sst s9;
	s0 =	simm.s32 @!p0 $0x0  }
0x12: {  	s1 =	sld [smem:$0x3F91];
	s0 =	simm.s32 @p0 $0x1  }
0x13: {  	[smem:$0x3FAC] =	sst s0;
	s0 =	simm.s32 @!p1 $0x0  }
0x14: {  	s2 =	sld [smem:$0x3F90];
	s0 =	simm.s32 @p1 $0x1  }
0x15: {  	[smem:$0x3FAD] =	sst s0;
	s0 =	simm.s32 @!p2 $0x0  }
0x16: {  	s3 =	sld [smem:$0x3FDB];
	s0 =	simm.s32 @p2 $0x1  }
0x17: {  	s4 =	simm.s32 $0x1BF5;
	[smem:$0x3FAF] =	sst s0  }
0x18: {  	s0 =	sld [smem:$0x3F92];
	_ =	swait.ge [sflag:s4], $0x0  }
0x19: {  	s7 =	sld [smem:$0x3F93]  }
0x1a: {  	s8 =	sadd.s32 $0xFFFFE003, lr  }
0x1b: {  	s9 =	sadd.s32 $0xFFFFFEF7, lr;
	s5 =	simm.s32 $0xFFFFFFFF;
	p2 =	slt.u32 s8, $0xFFFFF086  }
0x1c: {  	p1 =	slt.u32 s9, $0xF7A;
	s5 =	simm.s32 @!p2 $0x0  }
0x1d: {  	s5 =	simm.s32 @p1 $0x1;
	p0 =	seq.s32 s7, s2  }
0x1e: {  	s7 =	smul.u32 @!p0 $0xF7A, s2;
	p2 =	seq.s32 @!p0 s5, $0x0  }
0x1f: {  	s9 =	smul.u32 $0xF7A, s1;
	s8 =	simm.s32 @!p0 $0x1BF5;
	p2 =	por !p2, p0  }
0x20: {  	[sflag:s8] =	ssyncset.s32 @!p0 $0xFFFFF086;
	s6 =	sadd.s32 @!p0 s3, s7;
	s7 =	simm.s32 @!p0 $0x108  }
0x21: {  	s3 =	sadd.s32 s3, s9;
	s6 =	sadd.s32 @!p0 $0x88, s6;
	s7 =	simm.s32 @p2 $0x1082  }
0x22: {  	[simem:s7], [sflag:s8] =	dma.local @!p0 [hbm:s6], $0xF7A  }
0x23: {  	s9 =	sor.u32 $0xD0000000, s2;
	s6 =	simm.s32 $0x108;
	_ =	swait.ge @!p0 [sflag:s8], $0x0  }
0x24: {  	s3 =	sadd.s32 $0x88, s3;
	s6 =	simm.s32 @!p1 $0x1082;
	[sflag:s4] =	ssyncset.s32 $0xFFFFF086  }
0x25: {  	[simem:s6], [sflag:s4] =	dma.local [hbm:s3], $0xF7A  }
0x26: {  	[smem:$0x3F93] =	sst s1;
	(tag) =	ssettag s2;
	_ =	strace s9  }
0x27: {  	s1 =	sld [smem:$0x3FA3]  }
0x28: {  	s2 =	sld [smem:$0x3FA4]  }
0x29: {  	s4 =	sld [smem:$0x3FA6]  }
0x2a: {  	p0 =	seq.s32 s5, $0x0;
	s5 =	sld [smem:$0x3FA7]  }
0x2b: {  	s6 =	sld [smem:$0x3FA8]  }
0x2c: {  	s7 =	sld [smem:$0x3FA9]  }
0x2d: {  	s3 =	simm.s32 $0x108;
	s8 =	sld [smem:$0x3FAA]  }
0x2e: {  	s3 =	simm.s32 @!p0 $0x1082;
	s9 =	sld [smem:$0x3FAB]  }
0x2f: {  	lr =	sadd.s32 s0, s3;
	s0 =	sld [smem:$0x3FA2]  }
0x30: {  	s3 =	sld [smem:$0x3FA5]  }
0x31: {  	[smem:$0x3FAE] =	sst s10  }
0x32: {  	s10 =	sld [smem:$0x3FAC];
	_ =	sdelay $0x3  }
0x33: {  	p0 =	seq.s32 s10, $0x1;
	s10 =	sld [smem:$0x3FAE];
	_ =	sdelay $0x3  }
0x34: {  	[smem:$0x3FAE] =	sst s10  }
0x35: {  	s10 =	sld [smem:$0x3FAD];
	_ =	sdelay $0x3  }
0x36: {  	p1 =	seq.s32 s10, $0x1;
	s10 =	sld [smem:$0x3FAE];
	_ =	sdelay $0x3  }
0x37: {  	[smem:$0x3FAE] =	sst s10  }
0x38: {  	s10 =	sld [smem:$0x3FAF]  }
0x39: {  	_ = 	snop;
	(pc) =	sbr.ind lr, $3  }
0x3a: {  	_ = 	snop  }
0x3b: {  	_ = 	snop  }
0x3c: {  	p2 =	seq.s32 s10, $0x1;
	s10 =	sld [smem:$0x3FAE]  }
0x3d: {  	_ =	shalt  }
0x3e: {  	_ =	shalt  }
0x3f: {  	_ =	shalt  }
0x40: {  	_ =	shalt  }
0x41: {  	_ =	shalt  }
0x42: {  	_ =	shalt  }
0x43: {  	_ =	shalt  }
0x44: {  	_ =	shalt  }
0x45: {  	_ =	shalt  }
0x46: {  	_ =	shalt  }
0x47: {  	_ =	shalt  }
0x48: {  	_ =	shalt  }
0x49: {  	_ =	shalt  }
0x4a: {  	_ =	shalt  }
0x4b: {  	_ =	shalt  }
0x4c: {  	_ =	shalt  }
0x4d: {  	_ =	shalt  }
0x4e: {  	_ =	shalt  }
0x4f: {  	_ =	shalt  }
0x50: {  	_ =	shalt  }
0x51: {  	_ =	shalt  }
0x52: {  	_ =	shalt  }
0x53: {  	_ =	shalt  }
0x54: {  	_ =	shalt  }
0x55: {  	_ =	shalt  }
0x56: {  	_ =	shalt  }
0x57: {  	_ =	shalt  }
0x58: {  	_ =	shalt  }
0x59: {  	_ =	shalt  }
0x5a: {  	_ =	shalt  }
0x5b: {  	_ =	shalt  }
0x5c: {  	_ =	shalt  }
0x5d: {  	_ =	shalt  }
0x5e: {  	_ =	shalt  }
0x5f: {  	_ =	shalt  }
0x60: {  	_ =	shalt  }
0x61: {  	_ =	shalt  }
0x62: {  	_ =	shalt  }
0x63: {  	_ =	shalt  }
0x64: {  	_ =	shalt  }
0x65: {  	_ =	shalt  }
0x66: {  	_ =	shalt  }
0x67: {  	_ =	shalt  }
0x68: {  	_ =	shalt  }
0x69: {  	_ =	shalt  }
0x6a: {  	_ =	shalt  }
0x6b: {  	_ =	shalt  }
0x6c: {  	_ =	shalt  }
0x6d: {  	_ =	shalt  }
0x6e: {  	_ =	shalt  }
0x6f: {  	_ =	shalt  }
0x70: {  	_ =	shalt  }
0x71: {  	_ =	shalt  }
0x72: {  	_ =	shalt  }
0x73: {  	_ =	shalt  }
0x74: {  	_ =	shalt  }
0x75: {  	_ =	shalt  }
0x76: {  	_ =	shalt  }
0x77: {  	_ =	shalt  }
0x78: {  	_ =	shalt  }
0x79: {  	_ =	shalt  }
0x7a: {  	_ =	shalt  }
0x7b: {  	_ =	shalt  }
0x7c: {  	_ =	shalt  }
0x7d: {  	_ =	shalt  }
0x7e: {  	_ =	shalt  }
0x7f: {  	_ =	shalt  }
0x80: {  	_ =	shalt  }
0x81: {  	_ =	shalt  }
0x82: {  	_ =	shalt  }
0x83: {  	_ =	shalt  }
0x84: {  	_ =	shalt  }
0x85: {  	_ =	shalt  }
0x86: {  	_ =	shalt  }
0x87: {  	_ =	shalt  }
.Lfunc_end0:
.L_simem_size_0:
called_computation.1_lowered:
.L_overlay_start_0:
0x88: {  	s2 =	sld [smem:$0x3FD9]  }
0x89: {  	s3 =	sld [smem:$0x3FFE];
	_ =	sdelay $0x1  }
0x8a: {  	s1 =	srdreg.scid  }
0x8b: {  	s0 =	sand.u32 $0x1, s1  }
0x8c: {  	s17 =	sshll.u32 s0, $0xA;
	s2 =	sadd.s32 s3, s2  }
0x8d: {  	s2 =	sadd.s32 s2, s17  }
0x8e: {  	[smem:$0x3FBA] =	sst s2  }
0x8f: {  	_ = 	snop  }
0x90: {  	s2 =	sld [smem:$0x3FD0];
	(tm) =	ssettm $0x1  }
0x91: {  	s18 =	sld [smem:$0x3FFB];
	_ =	sdelay $0x3  }
0x92: {  	_ =	strace s18  }
0x93: {  	s3 =	sld [smem:$0x3FFC];
	_ =	sdelay $0x3  }
0x94: {  	_ =	strace s3  }
0x95: {  	s3 =	sld [smem:$0x3FFD];
	_ =	sdelay $0x3  }
0x96: {  	_ =	strace s3  }
0x97: {  	_ =	strace $0x8FFFFFFF  }
0x98: {  	s19 =	sld [smem:$0x3FDB];
	_ =	sdelay $0x1  }
0x99: {  	s4 =	simm.s32 $_scs_section_size  }
0x9a: {  	s5 =	simm.s32 $_size__tile_overlayer_lowered;
	s6 =	simm.s32 $_tile_overlayer_lowered  }
0x9b: {  	s22 =	simm.s32 $0x1BFF;
	s21 =	sshll.u32 s6, $0x1;
	s3 =	sadd.s32 s4, s19  }
0x9c: {  	s7 =	simm.s32 $0x0;
	s20 =	sshll.u32 s5, $0x1;
	s5 =	sadd.s32 s21, s3  }
0x9d: {  	[timem:s7], [sflag:s22] =	dma.local [hbm:s5], s20  }
0x9e: {  	_ =	swait.ge [sflag:s22], s20  }
0x9f: {  	s4 =	ssub.s32 $0x0, s20;
	[sflag:s22] =	ssyncset.done $0x0  }
0xa0: {  	[sflag:s22] =	ssyncadd.s32 s4;
	_ =	sdelay $0x1  }
0xa1: {  	s23 =	simm.s32 $0x1B8B  }
0xa2: {  	_ =	swait.ge [sflag:s23], $0x1  }
0xa3: {  	[sflag:s23] =	ssyncset.done $0x0  }
0xa4: {  	s25 =	simm.s32 $0x1B8E;
	s24 =	sld [smem:$0x3FFE];
	[sflag:s23] =	ssyncadd.s32 $0xFFFFFFFF  }
0xa5: {  	s26 =	simm.s32 $execute0_lowered;
	[smem:$0x3FD2] =	sst s25  }
0xa6: {  	s5 =	sshll.u32 s26, $0x1;
	_ =	strace $0x80000046;
	[dreg:$0x1] =	wrdreg $0xFFFFFFFF  }
0xa7: {  	s28 =	simm.s32 $_size_execute0_lowered;
	s3 =	sadd.s32 s3, s5;
	[dreg:$0x0] =	wrdreg $0x0  }
0xa8: {  	s5 =	sshll.u32 s28, $0x1;
	[dreg:$0x2] =	wrdreg s3  }
0xa9: {  	[dreg:$0x3] =	wrdreg s5  }
0xaa: {  	[dreg:$0x4] =	wrdreg $0xC0  }
0xab: {  	_ =	task [dreg:s7], $0x5FFFF  }
0xac: {  	[dreg:$0x1] =	wrdreg $0xFFFFFFFF  }
0xad: {  	[dreg:$0x0] =	wrdreg $0x60  }
0xae: {  	[dreg:$0x2] =	wrdreg s2  }
0xaf: {  	[dreg:$0x3] =	wrdreg s24  }
0xb0: {  	[dreg:$0x4] =	wrdreg $0x198000  }
0xb1: {  	[dreg:$0x5] =	wrdreg $0x9  }
0xb2: {  	_ =	task.clear_ibuf [dreg:s7], $0x6FFFF;
	_ =	strace $0x90000046  }
0xb3: {  	s29 =	simm.s32 $0x9;
	_ =	strace $0x80000048  }
0xb4: {  	_ =	swait.ge [sflag:s29], $0x1  }
0xb5: {  	[sflag:s29] =	ssyncadd.s32 $0xFFFFFFFF  }
0xb6: {  	_ =	strace $0x90000048  }
0xb7: {  	_ =	sfence  }
0xb8: {  	s30 =	sld [smem:$0x0];
	_ =	sdelay $0x2  }
0xb9: {  	s31 =	sshll.u32 s1, $0xD;
	s1 =	sshrl.u32 s1, $0x2  }
0xba: {  	s3 =	sand.u32 $0x4000, s31;
	s1 =	sadd.s32 s1, s30  }
0xbb: {  	s0 =	sor.u32 s3, s0;
	s1 =	sshll.u32 s1, $0x11  }
0xbc: {  	s0 =	sor.u32 s1, s0  }
0xbd: {  	s0 =	sadd.s32 $0x8F2B, s0  }
0xbe: {  	[sflag:s0] =	ssyncadd.remote.s32 $0x1  }
0xbf: {  	_ =	sfence.sel $0xFFFF  }
0xc0: {  	[dreg:$0x0] =	wrdreg $0xFFFFFFFF;
	(pc) =	sbr.abs _section_cstart, $3  }
0xc1: {  	[dreg:$0x1] =	wrdreg $0xFFFFFFFF  }
0xc2: {  	_ =	task.clear_ibuf [dreg:s7], $0x2FFFF;
	_ =	strace $0x9FFFFFFF  }
0xc3: {  	(tm) =	ssettm $0x7FFFFFFF  }
tec
execute0_lowered:
.L_overlay_start_1:
0x0: {  	(tag) =	ssettag $0x1  }
0x1: {  	s1 =	rddreg [dreg:$0x0]  }
0x2: {  	s5 =	rddreg [dreg:$0x1]  }
0x3: {  	s3 =	rddreg [dreg:$0x2];
	s2 =	stileid.u32  }
0x4: {  	s0 =	rddreg [dreg:$0x3];
	s6 =	smul.u32 $0xB00, s2  }
0x5: {  	s4 =	simm.s32 $0x0;
	s7 =	srdreg.scid;
	s8 =	smul.u32 $0x14000, s2  }
0x6: {  	[smem:$0x7FF] =	sst s4;
	s7 =	sand.u32 $0x1, s7;
	s10 =	smul.u32 $0x5000, s2  }
0x7: {  	s14 =	sadd.s32 $0xDC00, s5;
	_ =	strace $0x80000047;
	s12 =	smul.u32 $0xA0000, s7  }
0x8: {  	s9 =	ssub.s32 $0x2, s7;
	s13 =	sshllo.u32 s7, $0x1;
	s15 =	smul.u32 $0xFFFFEC00, s7  }
0x9: {  	s6 =	sadd.s32 s6, s5;
	s11 =	sshrl.u32 s9, $0x1;
	s26 =	smul.u32 $0x50000, s13  }
0xa: {  	s29 =	sshrl.u32 s8, $0x2;
	s13 =	smul.u32 $0xFFFFF600, s13;
	s9 =	ssub.s32 s9, s11  }
0xb: {  	s5 =	sadd.s32 $0x2C00, s6;
	s28 =	sadd.s32 s10, s12;
	s6 =	sadd.s32 s29, s3  }
0xc: {  	s11 =	simm.s32 $0x14800;
	s12 =	simm.s32 $0x80;
	v0 =	vmov s15;
	s15 =	simm.s32 $0x0  }
0xd: {  	s30 =	sshrl.u32 s28, $0x3;
	s10 =	sadd.s32 s10, s26;
	s9 =	smax.u32 s9, $0x1  }
0xe: {  	v1 =	vmov s13;
	s13 =	simm.s32 $0x10800;
	s7 =	sadd.s32 s14, s30;
	s31 =	sshrl.u32 s10, $0x3  }
0xf: {  	v2 =	vimm.f32 $0.0e+00;
	s10 =	simm.s32 $0x2;
	s8 =	sadd.s32 s14, s31;
	s14 =	simm.s32 $0x1  }
.LBB2_1:
0x10: {  	s16 =	sand.u32 $0x1FE00, s4  }
0x11: {  	s17 =	sand.u32 $0x70, s4;
	s18 =	sshrl.u32 s16, $0x2  }
0x12: {  	s16 =	simm.s32 $0x40;
	s18 =	sor.u32 s17, s18;
	s17 =	simm.s32 $0x0  }
.LBB2_2:
0x13: {  	p0 =	sne.s32 s16, $0x13FC0  }
0x14: {  	[tilespmem:s18+$0x14800] =	vst v2;
	s17 =	sadd.s32 $0x10, s17;
	s18 =	smov.u32 s16;
	s16 =	sadd.s32 $0x40, s16  }
.Ltmp0:
0x15: {  	(pc) =	sbr.rel @p0 .LBB2_2-.Ltmp0, $4  }
0x16: {  	_ = 	snop  }
0x17: {  	s18 =	sand.u32 $0x1FE00, s18  }
0x18: {  	s19 =	sand.u32 $0x70, s17;
	s18 =	sshrl.u32 s18, $0x2  }
0x19: {  	s18 =	sor.u32 s19, s18  }
0x1a: {  	[tilespmem:s18+$0x14800] =	vst v2;
	s16 =	simm.s32 $0x0  }
0x1b: {  	[tilespmem:s16], [sflag:$0x2] =	stream.linear.gather [hbm4b:s5+s16], $0x5800, $0x38;
	[tilespmem:$0x1E840] =	vst v63  }
0x1c: {  	_ =	swait.ge [sflag:s10], $0x5800  }
0x1d: {  	[sflag:s10] =	ssyncset.done $0x0  }
0x1e: {  	s16 =	simm.s32 $0x0;
	[sflag:s10] =	ssyncadd.s32 $0xFFFFA800  }
0x1f: {  	s17 =	simm.s32 $0x40;
	s18 =	simm.s32 $0x0;
	v3 =	vld [tilespmem:s16+$0x0]  }
.LBB2_4:
0x20: {  	p0 =	sne.s32 s17, $0x15FC0  }
.Ltmp1:
0x21: {  	_ = 	snop;
	(pc) =	sbr.rel @p0 .LBB2_4-.Ltmp1, $3  }
0x22: {  	_ =	sdelay $0x1  }
0x23: {  	s19 =	sshra.s32 s17, $0x2;
	s17 =	sadd.s32 $0x40, s17;
	v4 =	vshrl.u32 v3, $0xE  }
0x24: {  	v3 =	vld [tilespmem:s19+$0x0];
	[tilespmem:s18+$0x5800] =	vst v4;
	s18 =	smov.u32 s19  }
0x25: {  	_ =	sdelay $0x3  }
0x26: {  	v3 =	vshrl.u32 v3, $0xE  }
0x27: {  	[tilespmem:s18+$0x5800] =	vst v3  }
0x28: {  	s17 =	simm.s32 $0x40;
	v3 =	vld [tilespmem:s16+$0x0]  }
.LBB2_6:
0x29: {  	_ =	sdelay $0x1  }
0x2a: {  	p0 =	sne.s32 s17, $0x15FC0  }
.Ltmp2:
0x2b: {  	_ = 	snop;
	(pc) =	sbr.rel @p0 .LBB2_6-.Ltmp2, $4  }
0x2c: {  	v4 =	vand.u32 $0x3FFF, v3  }
0x2d: {  	v4 =	vadd.s32 v0, v4  }
0x2e: {  	s18 =	sshra.s32 s17, $0x2;
	v4 =	vmin.u32 v4, $0xA00  }
0x2f: {  	s17 =	sadd.s32 $0x40, s17;
	v3 =	vld [tilespmem:s18+$0x0];
	[tilespmem:s16+$0xB000] =	vst v4;
	s16 =	smov.u32 s18  }
0x30: {  	_ =	sdelay $0x3  }
0x31: {  	v3 =	vand.u32 $0x3FFF, v3  }
0x32: {  	v3 =	vadd.s32 v0, v3  }
0x33: {  	v3 =	vmin.u32 v3, $0xA00  }
0x34: {  	[tilespmem:s16+$0xB000] =	vst v3  }
0x35: {  	[spmem:s6] =	stream.linear.scatter [tilespmem:s11], [sflag:$0x2], $0x5000, $0x38;
	[tilespmem:$0x1E840] =	vst v63  }
0x36: {  	_ =	swait.ge [sflag:s10], $0x5000  }
0x37: {  	[sflag:s10] =	ssyncset.done $0x0  }
0x38: {  	[sflag:s10] =	ssyncadd.s32 $0xFFFFB000  }
0x39: {  	s30 =	simm.s32 $0x5800;
	[bflag:$0x0] =	sbarrier.arrive $0xFFFF  }
0x3a: {  	[tilespmem:s13], [sflag:$0x1] =	stream.indirect.gather [hbm4b:s1+s12], $0x80, s30, s12, $0xb8;
	[tilespmem:$0x1E840] =	vst v63  }
0x3b: {  	_ =	swait.ge [sflag:s14], $0x4000  }
0x3c: {  	[sflag:s14] =	ssyncset.done $0x0  }
0x3d: {  	s31 =	simm.s32 $0xB000;
	[sflag:s14] =	ssyncadd.s32 $0xFFFFC000  }
0x3e: {  	[spmem:s3] =	stream.indirect.scatter.add.f32 [tilespmem:s13], [sflag:$0x2], $0x80, s31, s12, $0xb8;
	[tilespmem:$0x1E840] =	vst v63  }
0x3f: {  	_ =	swait.ge [sflag:s10], $0x4000  }
0x40: {  	s17 =	simm.s32 $0x400;
	s16 =	simm.s32 $0x80;
	[sflag:s10] =	ssyncset.done $0x0  }
.LBB2_8:
0x41: {  	s18 =	sadd.s32 $0x5800, s16  }
0x42: {  	[sflag:s10] =	ssyncadd.s32 $0xFFFFC000;
	s19 =	smov.u32 s17;
	s20 =	sadd.s32 $0x200, s17  }
0x43: {  	[tilespmem:s13], [sflag:$0x1] =	stream.indirect.gather [hbm4b:s1+s12], $0x80, s18, s12, $0xb8;
	[tilespmem:$0x1E840] =	vst v63  }
0x44: {  	p0 =	sne.s32 s17, $0x15E00;
	_ =	swait.ge [sflag:s14], $0x4000  }
.Ltmp3:
0x45: {  	[sflag:s14] =	ssyncset.done $0x0;
	(pc) =	sbr.rel @p0 .LBB2_8-.Ltmp3, $4  }
0x46: {  	s16 =	sadd.s32 $0xB000, s16;
	[sflag:s14] =	ssyncadd.s32 $0xFFFFC000  }
0x47: {  	[spmem:s3] =	stream.indirect.scatter.add.f32 [tilespmem:s13], [sflag:$0x2], $0x80, s16, s12, $0xb8;
	[tilespmem:$0x1E840] =	vst v63  }
0x48: {  	_ =	swait.ge [sflag:s10], $0x4000  }
0x49: {  	s17 =	smov.u32 s20;
	s16 =	sshra.s32 s19, $0x2;
	[sflag:s10] =	ssyncset.done $0x0  }
0x4a: {  	s17 =	sadd.s32 $0x5800, s16;
	[sflag:s10] =	ssyncadd.s32 $0xFFFFC000  }
0x4b: {  	[tilespmem:s13], [sflag:$0x1] =	stream.indirect.gather [hbm4b:s1+s12], $0x80, s17, s12, $0xb8;
	[tilespmem:$0x1E840] =	vst v63  }
0x4c: {  	_ =	swait.ge [sflag:s14], $0x4000  }
0x4d: {  	[sflag:s14] =	ssyncset.done $0x0  }
0x4e: {  	s30 =	sadd.s32 $0xB000, s16;
	[sflag:s14] =	ssyncadd.s32 $0xFFFFC000  }
0x4f: {  	[spmem:s3] =	stream.indirect.scatter.add.f32 [tilespmem:s13], [sflag:$0x2], $0x80, s30, s12, $0xb8;
	[tilespmem:$0x1E840] =	vst v63  }
0x50: {  	_ =	swait.ge [sflag:s10], $0x4000  }
0x51: {  	[sflag:s10] =	ssyncset.done $0x0  }
0x52: {  	s31 =	sshll.u32 s2, $0x6;
	[sflag:s10] =	ssyncadd.s32 $0xFFFFC000  }
0x53: {  	s16 =	sor.u32 $0x1C02, s31;
	s17 =	sshrl.u32 s6, $0x3;
	[bflag:$0x0] =	sbarrier.arrive $0xFFFF  }
0x54: {  	[hbm:s7], [sflag:s16] =	dma.local [spmem:s17], $0xA00  }
0x55: {  	_ =	swait.ge [sflag:s10], $0xA00  }
0x56: {  	[sflag:s10] =	ssyncset.done $0x0  }
0x57: {  	[sflag:s10] =	ssyncadd.s32 $0xFFFFF600  }
0x58: {  	s18 =	simm.s32 $0x0;
	[bflag:$0x0] =	sbarrier.arrive $0xFFFF  }
0x59: {  	s19 =	simm.s32 $0x40;
	v3 =	vld [tilespmem:s18+$0x0]  }
.LBB2_10:
0x5a: {  	_ =	sdelay $0x1  }
0x5b: {  	p0 =	sne.s32 s19, $0x15FC0  }
.Ltmp4:
0x5c: {  	_ = 	snop;
	(pc) =	sbr.rel @p0 .LBB2_10-.Ltmp4, $4  }
0x5d: {  	v4 =	vand.u32 $0x3FFF, v3  }
0x5e: {  	v4 =	vadd.s32 v1, v4  }
0x5f: {  	s20 =	sshra.s32 s19, $0x2;
	v4 =	vmin.u32 v4, $0xA00  }
0x60: {  	s19 =	sadd.s32 $0x40, s19;
	v3 =	vld [tilespmem:s20+$0x0];
	[tilespmem:s18+$0xB000] =	vst v4;
	s18 =	smov.u32 s20  }
0x61: {  	_ =	sdelay $0x3  }
0x62: {  	v3 =	vand.u32 $0x3FFF, v3  }
0x63: {  	v3 =	vadd.s32 v1, v3  }
0x64: {  	v3 =	vmin.u32 v3, $0xA00  }
0x65: {  	[tilespmem:s18+$0xB000] =	vst v3  }
0x66: {  	[spmem:s6] =	stream.linear.scatter [tilespmem:s11], [sflag:$0x2], $0x5000, $0x38;
	[tilespmem:$0x1E840] =	vst v63  }
0x67: {  	_ =	swait.ge [sflag:s10], $0x5000  }
0x68: {  	[sflag:s10] =	ssyncset.done $0x0  }
0x69: {  	[sflag:s10] =	ssyncadd.s32 $0xFFFFB000  }
0x6a: {  	s30 =	simm.s32 $0x5800;
	[bflag:$0x0] =	sbarrier.arrive $0xFFFF  }
0x6b: {  	[tilespmem:s13], [sflag:$0x1] =	stream.indirect.gather [hbm4b:s1+s12], $0x80, s30, s12, $0xb8;
	[tilespmem:$0x1E840] =	vst v63  }
0x6c: {  	_ =	swait.ge [sflag:s14], $0x4000  }
0x6d: {  	[sflag:s14] =	ssyncset.done $0x0  }
0x6e: {  	s31 =	simm.s32 $0xB000;
	[sflag:s14] =	ssyncadd.s32 $0xFFFFC000  }
0x6f: {  	[spmem:s3] =	stream.indirect.scatter.add.f32 [tilespmem:s13], [sflag:$0x2], $0x80, s31, s12, $0xb8;
	[tilespmem:$0x1E840] =	vst v63  }
0x70: {  	_ =	swait.ge [sflag:s10], $0x4000  }
0x71: {  	s19 =	simm.s32 $0x400;
	s18 =	simm.s32 $0x80;
	[sflag:s10] =	ssyncset.done $0x0  }
.LBB2_12:
0x72: {  	s20 =	sadd.s32 $0x5800, s18  }
0x73: {  	[sflag:s10] =	ssyncadd.s32 $0xFFFFC000;
	s21 =	smov.u32 s19;
	s22 =	sadd.s32 $0x200, s19  }
0x74: {  	[tilespmem:s13], [sflag:$0x1] =	stream.indirect.gather [hbm4b:s1+s12], $0x80, s20, s12, $0xb8;
	[tilespmem:$0x1E840] =	vst v63  }
0x75: {  	p0 =	sne.s32 s19, $0x15E00;
	_ =	swait.ge [sflag:s14], $0x4000  }
.Ltmp5:
0x76: {  	[sflag:s14] =	ssyncset.done $0x0;
	(pc) =	sbr.rel @p0 .LBB2_12-.Ltmp5, $4  }
0x77: {  	s18 =	sadd.s32 $0xB000, s18;
	[sflag:s14] =	ssyncadd.s32 $0xFFFFC000  }
0x78: {  	[spmem:s3] =	stream.indirect.scatter.add.f32 [tilespmem:s13], [sflag:$0x2], $0x80, s18, s12, $0xb8;
	[tilespmem:$0x1E840] =	vst v63  }
0x79: {  	_ =	swait.ge [sflag:s10], $0x4000  }
0x7a: {  	s19 =	smov.u32 s22;
	s18 =	sshra.s32 s21, $0x2;
	[sflag:s10] =	ssyncset.done $0x0  }
0x7b: {  	s19 =	sadd.s32 $0x5800, s18;
	[sflag:s10] =	ssyncadd.s32 $0xFFFFC000  }
0x7c: {  	[tilespmem:s13], [sflag:$0x1] =	stream.indirect.gather [hbm4b:s1+s12], $0x80, s19, s12, $0xb8;
	[tilespmem:$0x1E840] =	vst v63  }
0x7d: {  	_ =	swait.ge [sflag:s14], $0x4000  }
0x7e: {  	[sflag:s14] =	ssyncset.done $0x0  }
0x7f: {  	s31 =	sadd.s32 $0xB000, s18;
	[sflag:s14] =	ssyncadd.s32 $0xFFFFC000  }
0x80: {  	[spmem:s3] =	stream.indirect.scatter.add.f32 [tilespmem:s13], [sflag:$0x2], $0x80, s31, s12, $0xb8;
	[tilespmem:$0x1E840] =	vst v63  }
0x81: {  	_ =	swait.ge [sflag:s10], $0x4000  }
0x82: {  	[sflag:s10] =	ssyncset.done $0x0  }
0x83: {  	s15 =	sadd.s32 $0x1, s15;
	[sflag:s10] =	ssyncadd.s32 $0xFFFFC000  }
0x84: {  	p0 =	sne.s32 s15, s9;
	[bflag:$0x0] =	sbarrier.arrive $0xFFFF  }
0x85: {  	[hbm:s8], [sflag:s16] =	dma.local [spmem:s17], $0xA00  }
.Ltmp6:
0x86: {  	_ =	swait.ge [sflag:s10], $0xA00;
	(pc) =	sbr.rel @p0 .LBB2_1-.Ltmp6, $3  }
0x87: {  	[sflag:s10] =	ssyncset.done $0x0  }
0x88: {  	[sflag:s10] =	ssyncadd.s32 $0xFFFFF600  }
0x89: {  	[bflag:$0x0] =	sbarrier.arrive $0xFFFF;
	_ =	sdelay $0x1  }
0x8a: {  	_ =	sfence.sel $0x180000  }
0x8b: {  	[bflag:$0x0] =	sbarrier.arrive $0xFFFF  }
0x8c: {  	p0 =	sne.s32 s2, $0x0;
	_ =	strace $0x90000047  }
0x8d: {  	s0 =	sadd.s32 @!p0 $0x100000, s0;
	[bflag:$0x2] =	sbarrier.arrive $0xFFFF  }
0x8e: {  	[sflag:s0] =	ssyncadd.tile.s32 @!p0 $0x1;
	_ =	shalt  }
.Lfunc_end2:
_tile_overlayer_lowered:
.L_overlay_start_2:
0x8f: {  	(tag) =	ssettag $0x2  }
0x90: {  	s0 =	rddreg [dreg:$0x0];
	s2 =	stileid.u32  }
0x91: {  	s1 =	rddreg [dreg:$0x1];
	p0 =	sne.s32 s2, $0x0  }
0x92: {  	s3 =	rddreg [dreg:$0x2];
	[bflag:$0x3] =	sbarrier.arrive $0xFFFF;
	s2 =	simm.s32 @!p0 $0x1C02  }
0x93: {  	[timem:s3], [sflag:s2] =	dma.local @!p0 [hbm:s0], s1  }
0x94: {  	s0 =	simm.s32 @!p0 $0x2  }
0x95: {  	_ =	swait.ge @!p0 [sflag:s0], s1  }
0x96: {  	s1 =	ssub.s32 @!p0 $0x0, s1;
	[sflag:s0] =	ssyncset.done @!p0 $0x0  }
0x97: {  	[sflag:s0] =	ssyncadd.s32 @!p0 s1  }
0x98: {  	[bflag:$0x3] =	sbarrier.arrive $0xFFFF  }
0x99: {  	_ =	shalt  }

</sc_bundles>
